<compile_context>
chip_gen: v7x
topology: tpu7x:2x2x1
jax: 0.10.2.dev20260603
libtpu: 0.0.44.dev20260713+nightly
codegen_flags: <defaults>
</compile_context>

<pallas_src>
import jax
import jax.numpy as jnp
from jax import lax
from jax.experimental import pallas as pl
from jax.experimental.pallas import tpu as pltpu
from jax.experimental.pallas import tpu_sc as plsc

B, L, C, D = 4096, 20, 16, 64
V, CV = 1000000, 1000
HALFV = V // 2

NC, NS = 2, 16
NW = NC * NS
RPW = B // NW
BLK = 4
NBLK = RPW // BLK
IDX_PER_BLK = BLK * L
LC = L * C

TCOLS = 1024
TGRID = -(-V // TCOLS)
VLIN = TGRID * TCOLS


def _pack_char_table(char_table):
    t = char_table.astype(jnp.bfloat16).reshape(CV, 2, 2, 16)
    t = t.transpose(0, 1, 3, 2).reshape(CV, 32, 2)
    return lax.bitcast_convert_type(t, jnp.int32)


def _tc_transpose_body(in_ref, out_ref):
    t = in_ref[...].T
    out_ref[...] = jnp.concatenate(
        [t[0:TCOLS // 2, :], t[TCOLS // 2:TCOLS, :]], axis=1)


def _linearize_table(word_table):
    wt_t = word_table.T
    out = pl.pallas_call(
        _tc_transpose_body,
        grid=(TGRID,),
        in_specs=[pl.BlockSpec((D, TCOLS), lambda c: (0, c))],
        out_specs=pl.BlockSpec((TCOLS // 2, 2 * D), lambda c: (c, 0)),
        out_shape=jax.ShapeDtypeStruct((VLIN // 2, 2 * D), jnp.float32),
    )(wt_t)
    return out.reshape(VLIN, D)


def _char_body(xc_hbm, ctab_hbm, out_hbm, ctab_v, xcidx_v, out_v):
    wid = lax.axis_index("s") * NC + lax.axis_index("c")
    row0 = wid * RPW

    pltpu.sync_copy(ctab_hbm, ctab_v)
    pltpu.sync_copy(xc_hbm.at[pl.ds(row0, RPW)], xcidx_v)

    c320 = jnp.full((16,), jnp.float32(1.0 / 320.0))
    sh16 = jnp.full((16,), 16, dtype=jnp.int32)
    zero = jnp.zeros((16,), jnp.float32)

    def char_row(r, carry):
        def cbody(it, accs):
            a0, a1, a2, a3 = accs
            iv = xcidx_v[r, pl.ds(it * 16, 16)]
            for k in range(16):
                v = iv[k]
                w0 = ctab_v[v, pl.ds(0, 16)]
                w1 = ctab_v[v, pl.ds(16, 16)]
                a0 = a0 + lax.bitcast_convert_type(
                    lax.shift_left(w0, sh16), jnp.float32)
                a1 = a1 + lax.bitcast_convert_type(w0, jnp.float32)
                a2 = a2 + lax.bitcast_convert_type(
                    lax.shift_left(w1, sh16), jnp.float32)
                a3 = a3 + lax.bitcast_convert_type(w1, jnp.float32)
            return a0, a1, a2, a3

        a0, a1, a2, a3 = lax.fori_loop(
            0, LC // 16, cbody, (zero, zero, zero, zero))
        out_v[r, pl.ds(0, 16)] = a0 * c320
        out_v[r, pl.ds(16, 16)] = a1 * c320
        out_v[r, pl.ds(32, 16)] = a2 * c320
        out_v[r, pl.ds(48, 16)] = a3 * c320
        return carry

    lax.fori_loop(0, RPW, char_row, 0)
    pltpu.sync_copy(out_v, out_hbm.at[pl.ds(row0, RPW)])


def _word_body(xr_hbm, wt_hbm, out_hbm, widx_v, g0_v, g1_v, out_v, sem0, sem1):
    wid = lax.axis_index("s") * NC + lax.axis_index("c")
    row0 = wid * RPW

    pltpu.sync_copy(xr_hbm.at[pl.ds(wid * NBLK, NBLK)], widx_v)

    cm1024 = jnp.full((16,), -1024, dtype=jnp.int32)
    c511 = jnp.full((16,), 511, dtype=jnp.int32)
    c9 = jnp.full((16,), 9, dtype=jnp.int32)
    c1i = jnp.full((16,), 1, dtype=jnp.int32)

    def remap(t, carry):
        r = t // (IDX_PER_BLK // 16)
        o = (t % (IDX_PER_BLK // 16)) * 16
        v = widx_v[r, pl.ds(o, 16)]
        lo = v & c511
        widx_v[r, pl.ds(o, 16)] = (
            (v & cm1024) + lo + lo + (lax.shift_right_logical(v, c9) & c1i))
        return carry

    lax.fori_loop(0, NBLK * (IDX_PER_BLK // 16), remap, 0)

    c20 = jnp.full((16,), jnp.float32(1.0 / 20.0))
    zero = jnp.zeros((16,), jnp.float32)

    def fire(b, gbuf, sem):
        return pltpu.async_copy(wt_hbm.at[widx_v.at[b]], gbuf, sem)

    def accum(b, gbuf):
        def word_row(i, carry):
            def wbody(l, accs):
                a0, a1, a2, a3 = accs
                g = i * L + l
                a0 = a0 + gbuf[g, pl.ds(0, 16)]
                a1 = a1 + gbuf[g, pl.ds(16, 16)]
                a2 = a2 + gbuf[g, pl.ds(32, 16)]
                a3 = a3 + gbuf[g, pl.ds(48, 16)]
                return a0, a1, a2, a3

            a0, a1, a2, a3 = lax.fori_loop(
                0, L, wbody, (zero, zero, zero, zero), unroll=4)
            r = b * BLK + i
            out_v[r, pl.ds(0, 16)] = a0 * c20
            out_v[r, pl.ds(16, 16)] = a1 * c20
            out_v[r, pl.ds(32, 16)] = a2 * c20
            out_v[r, pl.ds(48, 16)] = a3 * c20
            return carry

        lax.fori_loop(0, BLK, word_row, 0)

    fire(0, g0_v, sem0)

    def block2(t, carry):
        b0 = t * 2
        fire(b0 + 1, g1_v, sem1)
        pltpu.make_async_copy(wt_hbm.at[widx_v.at[b0]], g0_v, sem0).wait()
        accum(b0, g0_v)

        @pl.when(t < NBLK // 2 - 1)
        def _():
            fire(b0 + 2, g0_v, sem0)

        pltpu.make_async_copy(wt_hbm.at[widx_v.at[b0 + 1]], g1_v, sem1).wait()
        accum(b0 + 1, g1_v)
        return carry

    lax.fori_loop(0, NBLK // 2, block2, 0)
    pltpu.sync_copy(out_v, out_hbm.at[pl.ds(row0, RPW)])


@jax.jit
def kernel(x, x_char, word_table, char_table):
    xr = x.reshape(B * L // IDX_PER_BLK, IDX_PER_BLK)
    xc = x_char.reshape(B, LC)
    ctab = _pack_char_table(char_table)
    wt_lin = _linearize_table(word_table)

    mesh = plsc.VectorSubcoreMesh(core_axis_name="c", subcore_axis_name="s")
    sc_params = pltpu.CompilerParams(use_tc_tiling_on_sc=False)

    char_run = pl.kernel(
        _char_body,
        mesh=mesh,
        compiler_params=sc_params,
        out_type=jax.ShapeDtypeStruct((B, D), jnp.float32),
        scratch_types=[
            pltpu.VMEM((CV, 32), jnp.int32),
            pltpu.VMEM((RPW, LC), jnp.int32),
            pltpu.VMEM((RPW, D), jnp.float32),
        ],
    )
    word_run = pl.kernel(
        _word_body,
        mesh=mesh,
        compiler_params=sc_params,
        out_type=jax.ShapeDtypeStruct((B, D), jnp.float32),
        scratch_types=[
            pltpu.VMEM((NBLK, IDX_PER_BLK), jnp.int32),
            pltpu.VMEM((IDX_PER_BLK, D), jnp.float32),
            pltpu.VMEM((IDX_PER_BLK, D), jnp.float32),
            pltpu.VMEM((RPW, D), jnp.float32),
            pltpu.SemaphoreType.DMA,
            pltpu.SemaphoreType.DMA,
        ],
    )
    cboc = char_run(xc, ctab)
    cbow = word_run(xr, wt_lin)
    return jnp.concatenate([cbow, cboc], axis=1)

# --- scband reference (transcript-rebuilt; emitter-appended) ---
"""Pipeline reference for scband-model-simple-word-char-emb-77902116815338 (READ-ONLY COPY).

The authoritative reference and input builder live on the scoring server;
editing this copy changes nothing except your own understanding.
"""

import jax, jax.numpy as jnp
import numpy as np

B, L, C, D = 4096, 20, 16, 64
V, CV = 1000000, 1000

def setup_inputs(seed: int = 0):
    key = jax.random.key(seed)
    k1, k2, k3, k4 = jax.random.split(key, 4)
    x = jax.random.randint(k1, (B, L), 0, V, dtype=jnp.int32)
    x_char = jax.random.randint(k2, (B, L, C), 0, CV, dtype=jnp.int32)
    word_table = jax.random.normal(k3, (V, D), dtype=jnp.float32) * 0.02
    char_table = jax.random.normal(k4, (CV, D), dtype=jnp.float32) * 0.02
    return {"x": x, "x_char": x_char, "word_table": word_table, "char_table": char_table}

def reference(x, x_char, word_table, char_table):
    # word CBOW: gather + mean over sequence length
    word_emb = jnp.take(word_table, x, axis=0)            # [B, L, D]
    cbow = word_emb.mean(axis=1)                          # [B, D]
    # char CBOC: gather + flatten char/word dims + mean
    char_emb = jnp.take(char_table, x_char, axis=0)       # [B, L, C, D]
    char_emb = char_emb.reshape(char_emb.shape[0], -1, char_table.shape[1])  # [B, L*C, D]
    cboc = char_emb.mean(axis=1)                          # [B, D]
    # dropout is identity in eval mode
    out = jnp.concatenate([cbow, cboc], axis=1)           # [B, 2*D]
    return out

if __name__ == "__main__":
    import jax
    _d = setup_inputs()
    print(jax.jit(kernel)(*tuple(_d.values())))

</pallas_src>

<mosaic_0001>
#map = affine_map<(d0, d1) -> (0, 0)>
module attributes {stable_mosaic.version = 14 : i64} {
  func.func @_word_body(%arg0: i32, %arg1: i32, %arg2: memref<1024x80xi32, #tpu.memory_space<hbm>>, %arg3: memref<1000448x64xf32, #tpu.memory_space<hbm>>, %arg4: memref<4096x64xf32, #tpu.memory_space<hbm>>, %arg5: memref<32x80xi32, #tpu.memory_space<vmem>>, %arg6: memref<80x64xf32, #tpu.memory_space<vmem>>, %arg7: memref<80x64xf32, #tpu.memory_space<vmem>>, %arg8: memref<128x64xf32, #tpu.memory_space<vmem>>, %arg9: memref<!tpu.dma_semaphore, #tpu.memory_space<semaphore_mem>>, %arg10: memref<!tpu.dma_semaphore, #tpu.memory_space<semaphore_mem>>) attributes {dimension_semantics = [#tpu.dimension_semantics<core_parallel>, #tpu.dimension_semantics<subcore_parallel>], iteration_bounds = array<i64: 2, 16>, scalar_prefetch = 0 : i64, scratch_operands = 6 : i64, tpu.core_type = #tpu.core_type<sc_vector_subcore>, window_params = [{transform_indices = #map}, {transform_indices = #map}, {transform_indices = #map}]} {
    %mul3A = arith.constant 2 : i32
    %mul3A_0 = arith.muli %arg1, %mul3A : i32
    %add3A = arith.addi %mul3A_0, %arg0 : i32
    %mul3A_1 = arith.constant 128 : i32
    %mul3A_2 = arith.muli %add3A, %mul3A_1 : i32
    %mul3A_3 = arith.constant 32 : i32
    %mul3A_4 = arith.muli %add3A, %mul3A_3 : i32
    "tpu.region"() ({
      %run_scoped3A = tpu.sem_alloc : memref<!tpu.dma_semaphore, #tpu.memory_space<semaphore_mem>>
      %dma_start3A_33 = arith.constant 0 : i32
      %dma_start3A_34 = tpu.memref_slice %arg2[%mul3A_4, %dma_start3A_33] : memref<1024x80xi32, #tpu.memory_space<hbm>> -> memref<32x80xi32, #tpu.memory_space<hbm>>
      %dma_start3A_35 = arith.constant 0 : i32
      %dma_start3A_36 = tpu.memref_slice %arg2[%mul3A_4, %dma_start3A_35] : memref<1024x80xi32, #tpu.memory_space<hbm>> -> memref<32x80xi32, #tpu.memory_space<hbm>>
      tpu.enqueue_dma source(%dma_start3A_36 : memref<32x80xi32, #tpu.memory_space<hbm>>) target(%arg5 : memref<32x80xi32, #tpu.memory_space<vmem>>) target_semaphore(%run_scoped3A : memref<!tpu.dma_semaphore, #tpu.memory_space<semaphore_mem>>)
      %dma_wait3A = arith.constant 0 : i32
      %dma_wait3A_37 = tpu.memref_slice %arg2[%mul3A_4, %dma_wait3A] : memref<1024x80xi32, #tpu.memory_space<hbm>> -> memref<32x80xi32, #tpu.memory_space<hbm>>
      %dma_wait3A_38 = arith.constant 0 : i32
      %dma_wait3A_39 = tpu.memref_slice %arg2[%mul3A_4, %dma_wait3A_38] : memref<1024x80xi32, #tpu.memory_space<hbm>> -> memref<32x80xi32, #tpu.memory_space<hbm>>
      tpu.wait_dma2 semaphore(%run_scoped3A : memref<!tpu.dma_semaphore, #tpu.memory_space<semaphore_mem>>) src(%dma_wait3A_39 : memref<32x80xi32, #tpu.memory_space<hbm>>) dst(%arg5 : memref<32x80xi32, #tpu.memory_space<vmem>>)
      tpu.yield
    }) : () -> ()
    %broadcast_in_dim3A = arith.constant -1024 : i32
    %broadcast_in_dim3A_5 = vector.broadcast %broadcast_in_dim3A : i32 to vector<16xi32>
    %broadcast_in_dim3A_6 = arith.constant 511 : i32
    %broadcast_in_dim3A_7 = vector.broadcast %broadcast_in_dim3A_6 : i32 to vector<16xi32>
    %broadcast_in_dim3A_8 = arith.constant 9 : i32
    %broadcast_in_dim3A_9 = vector.broadcast %broadcast_in_dim3A_8 : i32 to vector<16xi32>
    %broadcast_in_dim3A_10 = arith.constant 1 : i32
    %broadcast_in_dim3A_11 = vector.broadcast %broadcast_in_dim3A_10 : i32 to vector<16xi32>
    %scan3A = arith.constant 0 : i32
    %scan3A_12 = arith.constant 0 : i32
    %scan3A_13 = arith.constant 160 : i32
    %scan3A_14 = arith.addi %scan3A_12, %scan3A_13 : i32
    %scan3A_15 = arith.constant 1 : i32
    scf.for %scan3A_33 = %scan3A_12 to %scan3A_14 step %scan3A_15  : i32 {
      %jit3A = arith.constant 5 : i32
      %div3A = arith.divsi %scan3A_33, %jit3A : i32
      %sign3A = arith.constant 0 : i32
      %sign3A_34 = arith.cmpi sgt, %scan3A_33, %sign3A : i32
      %sign3A_35 = arith.extui %sign3A_34 : i1 to i32
      %sign3A_36 = arith.constant 0 : i32
      %sign3A_37 = arith.cmpi slt, %scan3A_33, %sign3A_36 : i32
      %sign3A_38 = arith.extui %sign3A_37 : i1 to i32
      %sign3A_39 = arith.subi %sign3A_35, %sign3A_38 : i32
      %sign3A_40 = arith.constant 0 : i32
      %sign3A_41 = arith.cmpi sgt, %jit3A, %sign3A_40 : i32
      %sign3A_42 = arith.extui %sign3A_41 : i1 to i32
      %sign3A_43 = arith.constant 0 : i32
      %sign3A_44 = arith.cmpi slt, %jit3A, %sign3A_43 : i32
      %sign3A_45 = arith.extui %sign3A_44 : i1 to i32
      %sign3A_46 = arith.subi %sign3A_42, %sign3A_45 : i32
      %ne3A = arith.cmpi ne, %sign3A_39, %sign3A_46 : i32
      %rem3A = arith.remsi %scan3A_33, %jit3A : i32
      %ne3A_47 = arith.constant 0 : i32
      %ne3A_48 = arith.cmpi ne, %rem3A, %ne3A_47 : i32
      %and3A = arith.andi %ne3A, %ne3A_48 : i1
      %sub3A = arith.constant 1 : i32
      %sub3A_49 = arith.subi %div3A, %sub3A : i32
      %select_n3A = arith.select %and3A, %sub3A_49, %div3A : i32
      %jit3A_50 = arith.constant 5 : i32
      %eq3A = arith.constant 0 : i32
      %eq3A_51 = arith.cmpi eq, %jit3A_50, %eq3A : i32
      %jit3A_52 = arith.constant 1 : i32
      %select_n3A_53 = arith.select %eq3A_51, %jit3A_52, %jit3A_50 : i32
      %rem3A_54 = arith.remsi %scan3A_33, %select_n3A_53 : i32
      %ne3A_55 = arith.constant 0 : i32
      %ne3A_56 = arith.cmpi ne, %rem3A_54, %ne3A_55 : i32
      %lt3A = arith.constant 0 : i32
      %lt3A_57 = arith.cmpi slt, %rem3A_54, %lt3A : i32
      %lt3A_58 = arith.constant 0 : i32
      %lt3A_59 = arith.cmpi slt, %select_n3A_53, %lt3A_58 : i32
      %ne3A_60 = arith.xori %lt3A_57, %lt3A_59 : i1
      %and3A_61 = arith.andi %ne3A_60, %ne3A_56 : i1
      %add3A_62 = arith.addi %rem3A_54, %select_n3A_53 : i32
      %select_n3A_63 = arith.select %and3A_61, %add3A_62, %rem3A_54 : i32
      %mul3A_64 = arith.constant 16 : i32
      %mul3A_65 = arith.muli %select_n3A_63, %mul3A_64 : i32
      %get3A = arith.index_cast %select_n3A : i32 to index
      %get3A_66 = arith.index_cast %mul3A_65 : i32 to index
      %get3A_67 = tpu.vector_load %arg5[%get3A, %get3A_66] {strides = array<i32>} : memref<32x80xi32, #tpu.memory_space<vmem>>, vector<1x16xi32>,
      %get3A_68 = vector.shape_cast %get3A_67 : vector<1x16xi32> to vector<16xi32>
      %and3A_69 = arith.andi %get3A_68, %broadcast_in_dim3A_7 : vector<16xi32>
      %and3A_70 = arith.andi %get3A_68, %broadcast_in_dim3A_5 : vector<16xi32>
      %add3A_71 = arith.addi %and3A_70, %and3A_69 : vector<16xi32>
      %add3A_72 = arith.addi %add3A_71, %and3A_69 : vector<16xi32>
      %shift_right_logical3A = arith.shrui %get3A_68, %broadcast_in_dim3A_9 : vector<16xi32>
      %and3A_73 = arith.andi %shift_right_logical3A, %broadcast_in_dim3A_11 : vector<16xi32>
      %add3A_74 = arith.addi %add3A_72, %and3A_73 : vector<16xi32>
      %swap3A = arith.index_cast %select_n3A : i32 to index
      %swap3A_75 = arith.index_cast %mul3A_65 : i32 to index
      %swap3A_76 = tpu.vector_load %arg5[%swap3A, %swap3A_75] {strides = array<i32>} : memref<32x80xi32, #tpu.memory_space<vmem>>, vector<1x16xi32>,
      %swap3A_77 = vector.shape_cast %swap3A_76 : vector<1x16xi32> to vector<16xi32>
      %swap3A_78 = vector.shape_cast %add3A_74 : vector<16xi32> to vector<1x16xi32>
      tpu.vector_store %arg5[%swap3A, %swap3A_75], %swap3A_78 {strides = array<i32>} : memref<32x80xi32, #tpu.memory_space<vmem>>, vector<1x16xi32>,
    }
    %scan3A_16 = arith.constant 160 : i32
    %broadcast_in_dim3A_17 = arith.constant 5.000000e-02 : f32
    %broadcast_in_dim3A_18 = vector.broadcast %broadcast_in_dim3A_17 : f32 to vector<16xf32>
    %broadcast_in_dim3A_19 = arith.constant 0.000000e+00 : f32
    %broadcast_in_dim3A_20 = vector.broadcast %broadcast_in_dim3A_19 : f32 to vector<16xf32>
    %dma_start3A = arith.constant 0 : i32
    %dma_start3A_21 = arith.constant 0 : i32
    %dma_start3A_22 = tpu.memref_slice %arg5[%dma_start3A, %dma_start3A_21] : memref<32x80xi32, #tpu.memory_space<vmem>> -> memref<1x80xi32, #tpu.memory_space<vmem>>
    %dma_start3A_23 = tpu.memref_squeeze %dma_start3A_22 : memref<1x80xi32, #tpu.memory_space<vmem>> -> memref<80xi32, #tpu.memory_space<vmem>>
    %dma_start3A_24 = arith.constant 0 : i32
    %dma_start3A_25 = arith.constant 0 : i32
    %dma_start3A_26 = tpu.memref_slice %arg3[%dma_start3A_24, %dma_start3A_25] : memref<1000448x64xf32, #tpu.memory_space<hbm>> -> memref<1000448x64xf32, #tpu.memory_space<hbm>>
    tpu.enqueue_indirect_dma source(%dma_start3A_26 : memref<1000448x64xf32, #tpu.memory_space<hbm>>) target(%arg6 : memref<80x64xf32, #tpu.memory_space<vmem>>) offsets(%dma_start3A_23 : memref<80xi32, #tpu.memory_space<vmem>>) semaphore(%arg9 : memref<!tpu.dma_semaphore, #tpu.memory_space<semaphore_mem>>)
    %scan3A_27 = arith.constant 0 : i32
    %scan3A_28 = arith.constant 0 : i32
    %scan3A_29 = arith.constant 16 : i32
    %scan3A_30 = arith.addi %scan3A_28, %scan3A_29 : i32
    %scan3A_31 = arith.constant 1 : i32
    scf.for %scan3A_33 = %scan3A_28 to %scan3A_30 step %scan3A_31  : i32 {
      %mul3A_34 = arith.constant 2 : i32
      %mul3A_35 = arith.muli %scan3A_33, %mul3A_34 : i32
      %add3A_36 = arith.constant 1 : i32
      %add3A_37 = arith.addi %mul3A_35, %add3A_36 : i32
      %dma_start3A_38 = arith.constant 0 : i32
      %dma_start3A_39 = tpu.memref_slice %arg5[%add3A_37, %dma_start3A_38] : memref<32x80xi32, #tpu.memory_space<vmem>> -> memref<1x80xi32, #tpu.memory_space<vmem>>
      %dma_start3A_40 = tpu.memref_squeeze %dma_start3A_39 : memref<1x80xi32, #tpu.memory_space<vmem>> -> memref<80xi32, #tpu.memory_space<vmem>>
      %dma_start3A_41 = arith.constant 0 : i32
      %dma_start3A_42 = arith.constant 0 : i32
      %dma_start3A_43 = tpu.memref_slice %arg3[%dma_start3A_41, %dma_start3A_42] : memref<1000448x64xf32, #tpu.memory_space<hbm>> -> memref<1000448x64xf32, #tpu.memory_space<hbm>>
      tpu.enqueue_indirect_dma source(%dma_start3A_43 : memref<1000448x64xf32, #tpu.memory_space<hbm>>) target(%arg7 : memref<80x64xf32, #tpu.memory_space<vmem>>) offsets(%dma_start3A_40 : memref<80xi32, #tpu.memory_space<vmem>>) semaphore(%arg10 : memref<!tpu.dma_semaphore, #tpu.memory_space<semaphore_mem>>)
      %dma_wait3A = arith.constant 0 : i32
      %dma_wait3A_44 = tpu.memref_slice %arg5[%mul3A_35, %dma_wait3A] : memref<32x80xi32, #tpu.memory_space<vmem>> -> memref<1x80xi32, #tpu.memory_space<vmem>>
      %dma_wait3A_45 = tpu.memref_squeeze %dma_wait3A_44 : memref<1x80xi32, #tpu.memory_space<vmem>> -> memref<80xi32, #tpu.memory_space<vmem>>
      %dma_wait3A_46 = arith.constant 0 : i32
      %dma_wait3A_47 = arith.constant 0 : i32
      %dma_wait3A_48 = tpu.memref_slice %arg3[%dma_wait3A_46, %dma_wait3A_47] : memref<1000448x64xf32, #tpu.memory_space<hbm>> -> memref<1000448x64xf32, #tpu.memory_space<hbm>>
      tpu.wait_indirect_dma semaphore(%arg9 : memref<!tpu.dma_semaphore, #tpu.memory_space<semaphore_mem>>) src(%dma_wait3A_48 : memref<1000448x64xf32, #tpu.memory_space<hbm>>) dst(%arg6 : memref<80x64xf32, #tpu.memory_space<vmem>>)
      %scan3A_49 = arith.constant 0 : i32
      %scan3A_50 = arith.constant 0 : i32
      %scan3A_51 = arith.constant 4 : i32
      %scan3A_52 = arith.addi %scan3A_50, %scan3A_51 : i32
      %scan3A_53 = arith.constant 1 : i32
      scf.for %scan3A_73 = %scan3A_50 to %scan3A_52 step %scan3A_53  : i32 {
        %scan3A_74 = arith.constant 0 : i32
        %scan3A_75 = arith.constant 20 : i32
        %scan3A_76 = arith.addi %scan3A_74, %scan3A_75 : i32
        %scan3A_77 = arith.constant 4 : i32
        %scan3A_78:4 = scf.for %scan3A_106 = %scan3A_74 to %scan3A_76 step %scan3A_77 iter_args(%scan3A_107 = %broadcast_in_dim3A_20, %scan3A_108 = %broadcast_in_dim3A_20, %scan3A_109 = %broadcast_in_dim3A_20, %scan3A_110 = %broadcast_in_dim3A_20) -> (vector<16xf32>, vector<16xf32>, vector<16xf32>, vector<16xf32>)  : i32 {
          %mul3A_111 = arith.constant 20 : i32
          %mul3A_112 = arith.muli %scan3A_73, %mul3A_111 : i32
          %add3A_113 = arith.addi %mul3A_112, %scan3A_106 : i32
          %get3A = arith.index_cast %add3A_113 : i32 to index
          %get3A_114 = arith.constant 0 : index
          %get3A_115 = tpu.vector_load %arg6[%get3A, %get3A_114] {strides = array<i32>} : memref<80x64xf32, #tpu.memory_space<vmem>>, vector<1x16xf32>,
          %get3A_116 = vector.shape_cast %get3A_115 : vector<1x16xf32> to vector<16xf32>
          %add3A_117 = arith.addf %scan3A_107, %get3A_116 : vector<16xf32>
          %get3A_118 = arith.index_cast %add3A_113 : i32 to index
          %get3A_119 = arith.constant 16 : index
          %get3A_120 = tpu.vector_load %arg6[%get3A_118, %get3A_119] {strides = array<i32>} : memref<80x64xf32, #tpu.memory_space<vmem>>, vector<1x16xf32>,
          %get3A_121 = vector.shape_cast %get3A_120 : vector<1x16xf32> to vector<16xf32>
          %add3A_122 = arith.addf %scan3A_108, %get3A_121 : vector<16xf32>
          %get3A_123 = arith.index_cast %add3A_113 : i32 to index
          %get3A_124 = arith.constant 32 : index
          %get3A_125 = tpu.vector_load %arg6[%get3A_123, %get3A_124] {strides = array<i32>} : memref<80x64xf32, #tpu.memory_space<vmem>>, vector<1x16xf32>,
          %get3A_126 = vector.shape_cast %get3A_125 : vector<1x16xf32> to vector<16xf32>
          %add3A_127 = arith.addf %scan3A_109, %get3A_126 : vector<16xf32>
          %get3A_128 = arith.index_cast %add3A_113 : i32 to index
          %get3A_129 = arith.constant 48 : index
          %get3A_130 = tpu.vector_load %arg6[%get3A_128, %get3A_129] {strides = array<i32>} : memref<80x64xf32, #tpu.memory_space<vmem>>, vector<1x16xf32>,
          %get3A_131 = vector.shape_cast %get3A_130 : vector<1x16xf32> to vector<16xf32>
          %add3A_132 = arith.addf %scan3A_110, %get3A_131 : vector<16xf32>
          %scan3A_133 = arith.constant 1 : i32
          %scan3A_134 = arith.addi %scan3A_106, %scan3A_133 : i32
          %mul3A_135 = arith.constant 20 : i32
          %mul3A_136 = arith.muli %scan3A_73, %mul3A_135 : i32
          %add3A_137 = arith.addi %mul3A_136, %scan3A_134 : i32
          %get3A_138 = arith.index_cast %add3A_137 : i32 to index
          %get3A_139 = arith.constant 0 : index
          %get3A_140 = tpu.vector_load %arg6[%get3A_138, %get3A_139] {strides = array<i32>} : memref<80x64xf32, #tpu.memory_space<vmem>>, vector<1x16xf32>,
          %get3A_141 = vector.shape_cast %get3A_140 : vector<1x16xf32> to vector<16xf32>
          %add3A_142 = arith.addf %add3A_117, %get3A_141 : vector<16xf32>
          %get3A_143 = arith.index_cast %add3A_137 : i32 to index
          %get3A_144 = arith.constant 16 : index
          %get3A_145 = tpu.vector_load %arg6[%get3A_143, %get3A_144] {strides = array<i32>} : memref<80x64xf32, #tpu.memory_space<vmem>>, vector<1x16xf32>,
          %get3A_146 = vector.shape_cast %get3A_145 : vector<1x16xf32> to vector<16xf32>
          %add3A_147 = arith.addf %add3A_122, %get3A_146 : vector<16xf32>
          %get3A_148 = arith.index_cast %add3A_137 : i32 to index
          %get3A_149 = arith.constant 32 : index
          %get3A_150 = tpu.vector_load %arg6[%get3A_148, %get3A_149] {strides = array<i32>} : memref<80x64xf32, #tpu.memory_space<vmem>>, vector<1x16xf32>,
          %get3A_151 = vector.shape_cast %get3A_150 : vector<1x16xf32> to vector<16xf32>
          %add3A_152 = arith.addf %add3A_127, %get3A_151 : vector<16xf32>
          %get3A_153 = arith.index_cast %add3A_137 : i32 to index
          %get3A_154 = arith.constant 48 : index
          %get3A_155 = tpu.vector_load %arg6[%get3A_153, %get3A_154] {strides = array<i32>} : memref<80x64xf32, #tpu.memory_space<vmem>>, vector<1x16xf32>,
          %get3A_156 = vector.shape_cast %get3A_155 : vector<1x16xf32> to vector<16xf32>
          %add3A_157 = arith.addf %add3A_132, %get3A_156 : vector<16xf32>
          %scan3A_158 = arith.constant 2 : i32
          %scan3A_159 = arith.addi %scan3A_106, %scan3A_158 : i32
          %mul3A_160 = arith.constant 20 : i32
          %mul3A_161 = arith.muli %scan3A_73, %mul3A_160 : i32
          %add3A_162 = arith.addi %mul3A_161, %scan3A_159 : i32
          %get3A_163 = arith.index_cast %add3A_162 : i32 to index
          %get3A_164 = arith.constant 0 : index
          %get3A_165 = tpu.vector_load %arg6[%get3A_163, %get3A_164] {strides = array<i32>} : memref<80x64xf32, #tpu.memory_space<vmem>>, vector<1x16xf32>,
          %get3A_166 = vector.shape_cast %get3A_165 : vector<1x16xf32> to vector<16xf32>
          %add3A_167 = arith.addf %add3A_142, %get3A_166 : vector<16xf32>
          %get3A_168 = arith.index_cast %add3A_162 : i32 to index
          %get3A_169 = arith.constant 16 : index
          %get3A_170 = tpu.vector_load %arg6[%get3A_168, %get3A_169] {strides = array<i32>} : memref<80x64xf32, #tpu.memory_space<vmem>>, vector<1x16xf32>,
          %get3A_171 = vector.shape_cast %get3A_170 : vector<1x16xf32> to vector<16xf32>
          %add3A_172 = arith.addf %add3A_147, %get3A_171 : vector<16xf32>
          %get3A_173 = arith.index_cast %add3A_162 : i32 to index
          %get3A_174 = arith.constant 32 : index
          %get3A_175 = tpu.vector_load %arg6[%get3A_173, %get3A_174] {strides = array<i32>} : memref<80x64xf32, #tpu.memory_space<vmem>>, vector<1x16xf32>,
          %get3A_176 = vector.shape_cast %get3A_175 : vector<1x16xf32> to vector<16xf32>
          %add3A_177 = arith.addf %add3A_152, %get3A_176 : vector<16xf32>
          %get3A_178 = arith.index_cast %add3A_162 : i32 to index
          %get3A_179 = arith.constant 48 : index
          %get3A_180 = tpu.vector_load %arg6[%get3A_178, %get3A_179] {strides = array<i32>} : memref<80x64xf32, #tpu.memory_space<vmem>>, vector<1x16xf32>,
          %get3A_181 = vector.shape_cast %get3A_180 : vector<1x16xf32> to vector<16xf32>
          %add3A_182 = arith.addf %add3A_157, %get3A_181 : vector<16xf32>
          %scan3A_183 = arith.constant 3 : i32
          %scan3A_184 = arith.addi %scan3A_106, %scan3A_183 : i32
          %mul3A_185 = arith.constant 20 : i32
          %mul3A_186 = arith.muli %scan3A_73, %mul3A_185 : i32
          %add3A_187 = arith.addi %mul3A_186, %scan3A_184 : i32
          %get3A_188 = arith.index_cast %add3A_187 : i32 to index
          %get3A_189 = arith.constant 0 : index
          %get3A_190 = tpu.vector_load %arg6[%get3A_188, %get3A_189] {strides = array<i32>} : memref<80x64xf32, #tpu.memory_space<vmem>>, vector<1x16xf32>,
          %get3A_191 = vector.shape_cast %get3A_190 : vector<1x16xf32> to vector<16xf32>
          %add3A_192 = arith.addf %add3A_167, %get3A_191 : vector<16xf32>
          %get3A_193 = arith.index_cast %add3A_187 : i32 to index
          %get3A_194 = arith.constant 16 : index
          %get3A_195 = tpu.vector_load %arg6[%get3A_193, %get3A_194] {strides = array<i32>} : memref<80x64xf32, #tpu.memory_space<vmem>>, vector<1x16xf32>,
          %get3A_196 = vector.shape_cast %get3A_195 : vector<1x16xf32> to vector<16xf32>
          %add3A_197 = arith.addf %add3A_172, %get3A_196 : vector<16xf32>
          %get3A_198 = arith.index_cast %add3A_187 : i32 to index
          %get3A_199 = arith.constant 32 : index
          %get3A_200 = tpu.vector_load %arg6[%get3A_198, %get3A_199] {strides = array<i32>} : memref<80x64xf32, #tpu.memory_space<vmem>>, vector<1x16xf32>,
          %get3A_201 = vector.shape_cast %get3A_200 : vector<1x16xf32> to vector<16xf32>
          %add3A_202 = arith.addf %add3A_177, %get3A_201 : vector<16xf32>
          %get3A_203 = arith.index_cast %add3A_187 : i32 to index
          %get3A_204 = arith.constant 48 : index
          %get3A_205 = tpu.vector_load %arg6[%get3A_203, %get3A_204] {strides = array<i32>} : memref<80x64xf32, #tpu.memory_space<vmem>>, vector<1x16xf32>,
          %get3A_206 = vector.shape_cast %get3A_205 : vector<1x16xf32> to vector<16xf32>
          %add3A_207 = arith.addf %add3A_182, %get3A_206 : vector<16xf32>
          scf.yield %add3A_192, %add3A_197, %add3A_202, %add3A_207 : vector<16xf32>, vector<16xf32>, vector<16xf32>, vector<16xf32>
        }
        %scan3A_79 = arith.constant 20 : i32
        %mul3A_80 = arith.constant 4 : i32
        %mul3A_81 = arith.muli %mul3A_35, %mul3A_80 : i32
        %add3A_82 = arith.addi %mul3A_81, %scan3A_73 : i32
        %mul3A_83 = arith.mulf %scan3A_78#0, %broadcast_in_dim3A_18 : vector<16xf32>
        %swap3A = arith.index_cast %add3A_82 : i32 to index
        %swap3A_84 = arith.constant 0 : index
        %swap3A_85 = tpu.vector_load %arg8[%swap3A, %swap3A_84] {strides = array<i32>} : memref<128x64xf32, #tpu.memory_space<vmem>>, vector<1x16xf32>,
        %swap3A_86 = vector.shape_cast %swap3A_85 : vector<1x16xf32> to vector<16xf32>
        %swap3A_87 = vector.shape_cast %mul3A_83 : vector<16xf32> to vector<1x16xf32>
        tpu.vector_store %arg8[%swap3A, %swap3A_84], %swap3A_87 {strides = array<i32>} : memref<128x64xf32, #tpu.memory_space<vmem>>, vector<1x16xf32>,
        %mul3A_88 = arith.mulf %scan3A_78#1, %broadcast_in_dim3A_18 : vector<16xf32>
        %swap3A_89 = arith.index_cast %add3A_82 : i32 to index
        %swap3A_90 = arith.constant 16 : index
        %swap3A_91 = tpu.vector_load %arg8[%swap3A_89, %swap3A_90] {strides = array<i32>} : memref<128x64xf32, #tpu.memory_space<vmem>>, vector<1x16xf32>,
        %swap3A_92 = vector.shape_cast %swap3A_91 : vector<1x16xf32> to vector<16xf32>
        %swap3A_93 = vector.shape_cast %mul3A_88 : vector<16xf32> to vector<1x16xf32>
        tpu.vector_store %arg8[%swap3A_89, %swap3A_90], %swap3A_93 {strides = array<i32>} : memref<128x64xf32, #tpu.memory_space<vmem>>, vector<1x16xf32>,
        %mul3A_94 = arith.mulf %scan3A_78#2, %broadcast_in_dim3A_18 : vector<16xf32>
        %swap3A_95 = arith.index_cast %add3A_82 : i32 to index
        %swap3A_96 = arith.constant 32 : index
        %swap3A_97 = tpu.vector_load %arg8[%swap3A_95, %swap3A_96] {strides = array<i32>} : memref<128x64xf32, #tpu.memory_space<vmem>>, vector<1x16xf32>,
        %swap3A_98 = vector.shape_cast %swap3A_97 : vector<1x16xf32> to vector<16xf32>
        %swap3A_99 = vector.shape_cast %mul3A_94 : vector<16xf32> to vector<1x16xf32>
        tpu.vector_store %arg8[%swap3A_95, %swap3A_96], %swap3A_99 {strides = array<i32>} : memref<128x64xf32, #tpu.memory_space<vmem>>, vector<1x16xf32>,
        %mul3A_100 = arith.mulf %scan3A_78#3, %broadcast_in_dim3A_18 : vector<16xf32>
        %swap3A_101 = arith.index_cast %add3A_82 : i32 to index
        %swap3A_102 = arith.constant 48 : index
        %swap3A_103 = tpu.vector_load %arg8[%swap3A_101, %swap3A_102] {strides = array<i32>} : memref<128x64xf32, #tpu.memory_space<vmem>>, vector<1x16xf32>,
        %swap3A_104 = vector.shape_cast %swap3A_103 : vector<1x16xf32> to vector<16xf32>
        %swap3A_105 = vector.shape_cast %mul3A_100 : vector<16xf32> to vector<1x16xf32>
        tpu.vector_store %arg8[%swap3A_101, %swap3A_102], %swap3A_105 {strides = array<i32>} : memref<128x64xf32, #tpu.memory_space<vmem>>, vector<1x16xf32>,
      }
      %scan3A_54 = arith.constant 4 : i32
      %lt3A = arith.constant 15 : i32
      %lt3A_55 = arith.cmpi slt, %scan3A_33, %lt3A : i32
      %convert_element_type3A = arith.extui %lt3A_55 : i1 to i32
      %cond3A = arith.constant 0 : i32
      %cond3A_56 = arith.cmpi ne, %convert_element_type3A, %cond3A : i32
      scf.if %cond3A_56 {
        %add3A_73 = arith.constant 2 : i32
        %add3A_74 = arith.addi %mul3A_35, %add3A_73 : i32
        %dma_start3A_75 = arith.constant 0 : i32
        %dma_start3A_76 = tpu.memref_slice %arg5[%add3A_74, %dma_start3A_75] : memref<32x80xi32, #tpu.memory_space<vmem>> -> memref<1x80xi32, #tpu.memory_space<vmem>>
        %dma_start3A_77 = tpu.memref_squeeze %dma_start3A_76 : memref<1x80xi32, #tpu.memory_space<vmem>> -> memref<80xi32, #tpu.memory_space<vmem>>
        %dma_start3A_78 = arith.constant 0 : i32
        %dma_start3A_79 = arith.constant 0 : i32
        %dma_start3A_80 = tpu.memref_slice %arg3[%dma_start3A_78, %dma_start3A_79] : memref<1000448x64xf32, #tpu.memory_space<hbm>> -> memref<1000448x64xf32, #tpu.memory_space<hbm>>
        tpu.enqueue_indirect_dma source(%dma_start3A_80 : memref<1000448x64xf32, #tpu.memory_space<hbm>>) target(%arg6 : memref<80x64xf32, #tpu.memory_space<vmem>>) offsets(%dma_start3A_77 : memref<80xi32, #tpu.memory_space<vmem>>) semaphore(%arg9 : memref<!tpu.dma_semaphore, #tpu.memory_space<semaphore_mem>>)
      } else {
      }
      %add3A_57 = arith.constant 1 : i32
      %add3A_58 = arith.addi %mul3A_35, %add3A_57 : i32
      %dma_wait3A_59 = arith.constant 0 : i32
      %dma_wait3A_60 = tpu.memref_slice %arg5[%add3A_58, %dma_wait3A_59] : memref<32x80xi32, #tpu.memory_space<vmem>> -> memref<1x80xi32, #tpu.memory_space<vmem>>
      %dma_wait3A_61 = tpu.memref_squeeze %dma_wait3A_60 : memref<1x80xi32, #tpu.memory_space<vmem>> -> memref<80xi32, #tpu.memory_space<vmem>>
      %dma_wait3A_62 = arith.constant 0 : i32
      %dma_wait3A_63 = arith.constant 0 : i32
      %dma_wait3A_64 = tpu.memref_slice %arg3[%dma_wait3A_62, %dma_wait3A_63] : memref<1000448x64xf32, #tpu.memory_space<hbm>> -> memref<1000448x64xf32, #tpu.memory_space<hbm>>
      tpu.wait_indirect_dma semaphore(%arg10 : memref<!tpu.dma_semaphore, #tpu.memory_space<semaphore_mem>>) src(%dma_wait3A_64 : memref<1000448x64xf32, #tpu.memory_space<hbm>>) dst(%arg7 : memref<80x64xf32, #tpu.memory_space<vmem>>)
      %add3A_65 = arith.constant 1 : i32
      %add3A_66 = arith.addi %mul3A_35, %add3A_65 : i32
      %scan3A_67 = arith.constant 0 : i32
      %scan3A_68 = arith.constant 0 : i32
      %scan3A_69 = arith.constant 4 : i32
      %scan3A_70 = arith.addi %scan3A_68, %scan3A_69 : i32
      %scan3A_71 = arith.constant 1 : i32
      scf.for %scan3A_73 = %scan3A_68 to %scan3A_70 step %scan3A_71  : i32 {
        %scan3A_74 = arith.constant 0 : i32
        %scan3A_75 = arith.constant 20 : i32
        %scan3A_76 = arith.addi %scan3A_74, %scan3A_75 : i32
        %scan3A_77 = arith.constant 4 : i32
        %scan3A_78:4 = scf.for %scan3A_106 = %scan3A_74 to %scan3A_76 step %scan3A_77 iter_args(%scan3A_107 = %broadcast_in_dim3A_20, %scan3A_108 = %broadcast_in_dim3A_20, %scan3A_109 = %broadcast_in_dim3A_20, %scan3A_110 = %broadcast_in_dim3A_20) -> (vector<16xf32>, vector<16xf32>, vector<16xf32>, vector<16xf32>)  : i32 {
          %mul3A_111 = arith.constant 20 : i32
          %mul3A_112 = arith.muli %scan3A_73, %mul3A_111 : i32
          %add3A_113 = arith.addi %mul3A_112, %scan3A_106 : i32
          %get3A = arith.index_cast %add3A_113 : i32 to index
          %get3A_114 = arith.constant 0 : index
          %get3A_115 = tpu.vector_load %arg7[%get3A, %get3A_114] {strides = array<i32>} : memref<80x64xf32, #tpu.memory_space<vmem>>, vector<1x16xf32>,
          %get3A_116 = vector.shape_cast %get3A_115 : vector<1x16xf32> to vector<16xf32>
          %add3A_117 = arith.addf %scan3A_107, %get3A_116 : vector<16xf32>
          %get3A_118 = arith.index_cast %add3A_113 : i32 to index
          %get3A_119 = arith.constant 16 : index
          %get3A_120 = tpu.vector_load %arg7[%get3A_118, %get3A_119] {strides = array<i32>} : memref<80x64xf32, #tpu.memory_space<vmem>>, vector<1x16xf32>,
          %get3A_121 = vector.shape_cast %get3A_120 : vector<1x16xf32> to vector<16xf32>
          %add3A_122 = arith.addf %scan3A_108, %get3A_121 : vector<16xf32>
          %get3A_123 = arith.index_cast %add3A_113 : i32 to index
          %get3A_124 = arith.constant 32 : index
          %get3A_125 = tpu.vector_load %arg7[%get3A_123, %get3A_124] {strides = array<i32>} : memref<80x64xf32, #tpu.memory_space<vmem>>, vector<1x16xf32>,
          %get3A_126 = vector.shape_cast %get3A_125 : vector<1x16xf32> to vector<16xf32>
          %add3A_127 = arith.addf %scan3A_109, %get3A_126 : vector<16xf32>
          %get3A_128 = arith.index_cast %add3A_113 : i32 to index
          %get3A_129 = arith.constant 48 : index
          %get3A_130 = tpu.vector_load %arg7[%get3A_128, %get3A_129] {strides = array<i32>} : memref<80x64xf32, #tpu.memory_space<vmem>>, vector<1x16xf32>,
          %get3A_131 = vector.shape_cast %get3A_130 : vector<1x16xf32> to vector<16xf32>
          %add3A_132 = arith.addf %scan3A_110, %get3A_131 : vector<16xf32>
          %scan3A_133 = arith.constant 1 : i32
          %scan3A_134 = arith.addi %scan3A_106, %scan3A_133 : i32
          %mul3A_135 = arith.constant 20 : i32
          %mul3A_136 = arith.muli %scan3A_73, %mul3A_135 : i32
          %add3A_137 = arith.addi %mul3A_136, %scan3A_134 : i32
          %get3A_138 = arith.index_cast %add3A_137 : i32 to index
          %get3A_139 = arith.constant 0 : index
          %get3A_140 = tpu.vector_load %arg7[%get3A_138, %get3A_139] {strides = array<i32>} : memref<80x64xf32, #tpu.memory_space<vmem>>, vector<1x16xf32>,
          %get3A_141 = vector.shape_cast %get3A_140 : vector<1x16xf32> to vector<16xf32>
          %add3A_142 = arith.addf %add3A_117, %get3A_141 : vector<16xf32>
          %get3A_143 = arith.index_cast %add3A_137 : i32 to index
          %get3A_144 = arith.constant 16 : index
          %get3A_145 = tpu.vector_load %arg7[%get3A_143, %get3A_144] {strides = array<i32>} : memref<80x64xf32, #tpu.memory_space<vmem>>, vector<1x16xf32>,
          %get3A_146 = vector.shape_cast %get3A_145 : vector<1x16xf32> to vector<16xf32>
          %add3A_147 = arith.addf %add3A_122, %get3A_146 : vector<16xf32>
          %get3A_148 = arith.index_cast %add3A_137 : i32 to index
          %get3A_149 = arith.constant 32 : index
          %get3A_150 = tpu.vector_load %arg7[%get3A_148, %get3A_149] {strides = array<i32>} : memref<80x64xf32, #tpu.memory_space<vmem>>, vector<1x16xf32>,
          %get3A_151 = vector.shape_cast %get3A_150 : vector<1x16xf32> to vector<16xf32>
          %add3A_152 = arith.addf %add3A_127, %get3A_151 : vector<16xf32>
          %get3A_153 = arith.index_cast %add3A_137 : i32 to index
          %get3A_154 = arith.constant 48 : index
          %get3A_155 = tpu.vector_load %arg7[%get3A_153, %get3A_154] {strides = array<i32>} : memref<80x64xf32, #tpu.memory_space<vmem>>, vector<1x16xf32>,
          %get3A_156 = vector.shape_cast %get3A_155 : vector<1x16xf32> to vector<16xf32>
          %add3A_157 = arith.addf %add3A_132, %get3A_156 : vector<16xf32>
          %scan3A_158 = arith.constant 2 : i32
          %scan3A_159 = arith.addi %scan3A_106, %scan3A_158 : i32
          %mul3A_160 = arith.constant 20 : i32
          %mul3A_161 = arith.muli %scan3A_73, %mul3A_160 : i32
          %add3A_162 = arith.addi %mul3A_161, %scan3A_159 : i32
          %get3A_163 = arith.index_cast %add3A_162 : i32 to index
          %get3A_164 = arith.constant 0 : index
          %get3A_165 = tpu.vector_load %arg7[%get3A_163, %get3A_164] {strides = array<i32>} : memref<80x64xf32, #tpu.memory_space<vmem>>, vector<1x16xf32>,
          %get3A_166 = vector.shape_cast %get3A_165 : vector<1x16xf32> to vector<16xf32>
          %add3A_167 = arith.addf %add3A_142, %get3A_166 : vector<16xf32>
          %get3A_168 = arith.index_cast %add3A_162 : i32 to index
          %get3A_169 = arith.constant 16 : index
          %get3A_170 = tpu.vector_load %arg7[%get3A_168, %get3A_169] {strides = array<i32>} : memref<80x64xf32, #tpu.memory_space<vmem>>, vector<1x16xf32>,
          %get3A_171 = vector.shape_cast %get3A_170 : vector<1x16xf32> to vector<16xf32>
          %add3A_172 = arith.addf %add3A_147, %get3A_171 : vector<16xf32>
          %get3A_173 = arith.index_cast %add3A_162 : i32 to index
          %get3A_174 = arith.constant 32 : index
          %get3A_175 = tpu.vector_load %arg7[%get3A_173, %get3A_174] {strides = array<i32>} : memref<80x64xf32, #tpu.memory_space<vmem>>, vector<1x16xf32>,
          %get3A_176 = vector.shape_cast %get3A_175 : vector<1x16xf32> to vector<16xf32>
          %add3A_177 = arith.addf %add3A_152, %get3A_176 : vector<16xf32>
          %get3A_178 = arith.index_cast %add3A_162 : i32 to index
          %get3A_179 = arith.constant 48 : index
          %get3A_180 = tpu.vector_load %arg7[%get3A_178, %get3A_179] {strides = array<i32>} : memref<80x64xf32, #tpu.memory_space<vmem>>, vector<1x16xf32>,
          %get3A_181 = vector.shape_cast %get3A_180 : vector<1x16xf32> to vector<16xf32>
          %add3A_182 = arith.addf %add3A_157, %get3A_181 : vector<16xf32>
          %scan3A_183 = arith.constant 3 : i32
          %scan3A_184 = arith.addi %scan3A_106, %scan3A_183 : i32
          %mul3A_185 = arith.constant 20 : i32
          %mul3A_186 = arith.muli %scan3A_73, %mul3A_185 : i32
          %add3A_187 = arith.addi %mul3A_186, %scan3A_184 : i32
          %get3A_188 = arith.index_cast %add3A_187 : i32 to index
          %get3A_189 = arith.constant 0 : index
          %get3A_190 = tpu.vector_load %arg7[%get3A_188, %get3A_189] {strides = array<i32>} : memref<80x64xf32, #tpu.memory_space<vmem>>, vector<1x16xf32>,
          %get3A_191 = vector.shape_cast %get3A_190 : vector<1x16xf32> to vector<16xf32>
          %add3A_192 = arith.addf %add3A_167, %get3A_191 : vector<16xf32>
          %get3A_193 = arith.index_cast %add3A_187 : i32 to index
          %get3A_194 = arith.constant 16 : index
          %get3A_195 = tpu.vector_load %arg7[%get3A_193, %get3A_194] {strides = array<i32>} : memref<80x64xf32, #tpu.memory_space<vmem>>, vector<1x16xf32>,
          %get3A_196 = vector.shape_cast %get3A_195 : vector<1x16xf32> to vector<16xf32>
          %add3A_197 = arith.addf %add3A_172, %get3A_196 : vector<16xf32>
          %get3A_198 = arith.index_cast %add3A_187 : i32 to index
          %get3A_199 = arith.constant 32 : index
          %get3A_200 = tpu.vector_load %arg7[%get3A_198, %get3A_199] {strides = array<i32>} : memref<80x64xf32, #tpu.memory_space<vmem>>, vector<1x16xf32>,
          %get3A_201 = vector.shape_cast %get3A_200 : vector<1x16xf32> to vector<16xf32>
          %add3A_202 = arith.addf %add3A_177, %get3A_201 : vector<16xf32>
          %get3A_203 = arith.index_cast %add3A_187 : i32 to index
          %get3A_204 = arith.constant 48 : index
          %get3A_205 = tpu.vector_load %arg7[%get3A_203, %get3A_204] {strides = array<i32>} : memref<80x64xf32, #tpu.memory_space<vmem>>, vector<1x16xf32>,
          %get3A_206 = vector.shape_cast %get3A_205 : vector<1x16xf32> to vector<16xf32>
          %add3A_207 = arith.addf %add3A_182, %get3A_206 : vector<16xf32>
          scf.yield %add3A_192, %add3A_197, %add3A_202, %add3A_207 : vector<16xf32>, vector<16xf32>, vector<16xf32>, vector<16xf32>
        }
        %scan3A_79 = arith.constant 20 : i32
        %mul3A_80 = arith.constant 4 : i32
        %mul3A_81 = arith.muli %add3A_66, %mul3A_80 : i32
        %add3A_82 = arith.addi %mul3A_81, %scan3A_73 : i32
        %mul3A_83 = arith.mulf %scan3A_78#0, %broadcast_in_dim3A_18 : vector<16xf32>
        %swap3A = arith.index_cast %add3A_82 : i32 to index
        %swap3A_84 = arith.constant 0 : index
        %swap3A_85 = tpu.vector_load %arg8[%swap3A, %swap3A_84] {strides = array<i32>} : memref<128x64xf32, #tpu.memory_space<vmem>>, vector<1x16xf32>,
        %swap3A_86 = vector.shape_cast %swap3A_85 : vector<1x16xf32> to vector<16xf32>
        %swap3A_87 = vector.shape_cast %mul3A_83 : vector<16xf32> to vector<1x16xf32>
        tpu.vector_store %arg8[%swap3A, %swap3A_84], %swap3A_87 {strides = array<i32>} : memref<128x64xf32, #tpu.memory_space<vmem>>, vector<1x16xf32>,
        %mul3A_88 = arith.mulf %scan3A_78#1, %broadcast_in_dim3A_18 : vector<16xf32>
        %swap3A_89 = arith.index_cast %add3A_82 : i32 to index
        %swap3A_90 = arith.constant 16 : index
        %swap3A_91 = tpu.vector_load %arg8[%swap3A_89, %swap3A_90] {strides = array<i32>} : memref<128x64xf32, #tpu.memory_space<vmem>>, vector<1x16xf32>,
        %swap3A_92 = vector.shape_cast %swap3A_91 : vector<1x16xf32> to vector<16xf32>
        %swap3A_93 = vector.shape_cast %mul3A_88 : vector<16xf32> to vector<1x16xf32>
        tpu.vector_store %arg8[%swap3A_89, %swap3A_90], %swap3A_93 {strides = array<i32>} : memref<128x64xf32, #tpu.memory_space<vmem>>, vector<1x16xf32>,
        %mul3A_94 = arith.mulf %scan3A_78#2, %broadcast_in_dim3A_18 : vector<16xf32>
        %swap3A_95 = arith.index_cast %add3A_82 : i32 to index
        %swap3A_96 = arith.constant 32 : index
        %swap3A_97 = tpu.vector_load %arg8[%swap3A_95, %swap3A_96] {strides = array<i32>} : memref<128x64xf32, #tpu.memory_space<vmem>>, vector<1x16xf32>,
        %swap3A_98 = vector.shape_cast %swap3A_97 : vector<1x16xf32> to vector<16xf32>
        %swap3A_99 = vector.shape_cast %mul3A_94 : vector<16xf32> to vector<1x16xf32>
        tpu.vector_store %arg8[%swap3A_95, %swap3A_96], %swap3A_99 {strides = array<i32>} : memref<128x64xf32, #tpu.memory_space<vmem>>, vector<1x16xf32>,
        %mul3A_100 = arith.mulf %scan3A_78#3, %broadcast_in_dim3A_18 : vector<16xf32>
        %swap3A_101 = arith.index_cast %add3A_82 : i32 to index
        %swap3A_102 = arith.constant 48 : index
        %swap3A_103 = tpu.vector_load %arg8[%swap3A_101, %swap3A_102] {strides = array<i32>} : memref<128x64xf32, #tpu.memory_space<vmem>>, vector<1x16xf32>,
        %swap3A_104 = vector.shape_cast %swap3A_103 : vector<1x16xf32> to vector<16xf32>
        %swap3A_105 = vector.shape_cast %mul3A_100 : vector<16xf32> to vector<1x16xf32>
        tpu.vector_store %arg8[%swap3A_101, %swap3A_102], %swap3A_105 {strides = array<i32>} : memref<128x64xf32, #tpu.memory_space<vmem>>, vector<1x16xf32>,
      }
      %scan3A_72 = arith.constant 4 : i32
    }
    %scan3A_32 = arith.constant 16 : i32
    "tpu.region"() ({
      %run_scoped3A = tpu.sem_alloc : memref<!tpu.dma_semaphore, #tpu.memory_space<semaphore_mem>>
      %dma_start3A_33 = arith.constant 0 : i32
      %dma_start3A_34 = tpu.memref_slice %arg4[%mul3A_2, %dma_start3A_33] : memref<4096x64xf32, #tpu.memory_space<hbm>> -> memref<128x64xf32, #tpu.memory_space<hbm>>
      %dma_start3A_35 = arith.constant 0 : i32
      %dma_start3A_36 = tpu.memref_slice %arg4[%mul3A_2, %dma_start3A_35] : memref<4096x64xf32, #tpu.memory_space<hbm>> -> memref<128x64xf32, #tpu.memory_space<hbm>>
      tpu.enqueue_dma source(%arg8 : memref<128x64xf32, #tpu.memory_space<vmem>>) target(%dma_start3A_36 : memref<128x64xf32, #tpu.memory_space<hbm>>) target_semaphore(%run_scoped3A : memref<!tpu.dma_semaphore, #tpu.memory_space<semaphore_mem>>)
      %dma_wait3A = arith.constant 0 : i32
      %dma_wait3A_37 = tpu.memref_slice %arg4[%mul3A_2, %dma_wait3A] : memref<4096x64xf32, #tpu.memory_space<hbm>> -> memref<128x64xf32, #tpu.memory_space<hbm>>
      %dma_wait3A_38 = arith.constant 0 : i32
      %dma_wait3A_39 = tpu.memref_slice %arg4[%mul3A_2, %dma_wait3A_38] : memref<4096x64xf32, #tpu.memory_space<hbm>> -> memref<128x64xf32, #tpu.memory_space<hbm>>
      tpu.wait_dma2 semaphore(%run_scoped3A : memref<!tpu.dma_semaphore, #tpu.memory_space<semaphore_mem>>) src(%arg8 : memref<128x64xf32, #tpu.memory_space<vmem>>) dst(%dma_wait3A_39 : memref<128x64xf32, #tpu.memory_space<hbm>>)
      tpu.yield
    }) : () -> ()
    return
  }
}

#map = affine_map<(d0, d1) -> (0, 0)>
module attributes {stable_mosaic.version = 14 : i64} {
  func.func @_char_body(%arg0: i32, %arg1: i32, %arg2: memref<4096x320xi32, #tpu.memory_space<hbm>>, %arg3: memref<1000x32xi32, #tpu.memory_space<hbm>>, %arg4: memref<4096x64xf32, #tpu.memory_space<hbm>>, %arg5: memref<1000x32xi32, #tpu.memory_space<vmem>>, %arg6: memref<128x320xi32, #tpu.memory_space<vmem>>, %arg7: memref<128x64xf32, #tpu.memory_space<vmem>>) attributes {dimension_semantics = [#tpu.dimension_semantics<core_parallel>, #tpu.dimension_semantics<subcore_parallel>], iteration_bounds = array<i64: 2, 16>, scalar_prefetch = 0 : i64, scratch_operands = 3 : i64, tpu.core_type = #tpu.core_type<sc_vector_subcore>, window_params = [{transform_indices = #map}, {transform_indices = #map}, {transform_indices = #map}]} {
    %mul3A = arith.constant 2 : i32
    %mul3A_0 = arith.muli %arg1, %mul3A : i32
    %add3A = arith.addi %mul3A_0, %arg0 : i32
    %mul3A_1 = arith.constant 128 : i32
    %mul3A_2 = arith.muli %add3A, %mul3A_1 : i32
    "tpu.region"() ({
      %run_scoped3A = tpu.sem_alloc : memref<!tpu.dma_semaphore, #tpu.memory_space<semaphore_mem>>
      tpu.enqueue_dma source(%arg3 : memref<1000x32xi32, #tpu.memory_space<hbm>>) target(%arg5 : memref<1000x32xi32, #tpu.memory_space<vmem>>) target_semaphore(%run_scoped3A : memref<!tpu.dma_semaphore, #tpu.memory_space<semaphore_mem>>)
      tpu.wait_dma2 semaphore(%run_scoped3A : memref<!tpu.dma_semaphore, #tpu.memory_space<semaphore_mem>>) src(%arg3 : memref<1000x32xi32, #tpu.memory_space<hbm>>) dst(%arg5 : memref<1000x32xi32, #tpu.memory_space<vmem>>)
      tpu.yield
    }) : () -> ()
    "tpu.region"() ({
      %run_scoped3A = tpu.sem_alloc : memref<!tpu.dma_semaphore, #tpu.memory_space<semaphore_mem>>
      %dma_start3A = arith.constant 0 : i32
      %dma_start3A_13 = tpu.memref_slice %arg2[%mul3A_2, %dma_start3A] : memref<4096x320xi32, #tpu.memory_space<hbm>> -> memref<128x320xi32, #tpu.memory_space<hbm>>
      %dma_start3A_14 = arith.constant 0 : i32
      %dma_start3A_15 = tpu.memref_slice %arg2[%mul3A_2, %dma_start3A_14] : memref<4096x320xi32, #tpu.memory_space<hbm>> -> memref<128x320xi32, #tpu.memory_space<hbm>>
      tpu.enqueue_dma source(%dma_start3A_15 : memref<128x320xi32, #tpu.memory_space<hbm>>) target(%arg6 : memref<128x320xi32, #tpu.memory_space<vmem>>) target_semaphore(%run_scoped3A : memref<!tpu.dma_semaphore, #tpu.memory_space<semaphore_mem>>)
      %dma_wait3A = arith.constant 0 : i32
      %dma_wait3A_16 = tpu.memref_slice %arg2[%mul3A_2, %dma_wait3A] : memref<4096x320xi32, #tpu.memory_space<hbm>> -> memref<128x320xi32, #tpu.memory_space<hbm>>
      %dma_wait3A_17 = arith.constant 0 : i32
      %dma_wait3A_18 = tpu.memref_slice %arg2[%mul3A_2, %dma_wait3A_17] : memref<4096x320xi32, #tpu.memory_space<hbm>> -> memref<128x320xi32, #tpu.memory_space<hbm>>
      tpu.wait_dma2 semaphore(%run_scoped3A : memref<!tpu.dma_semaphore, #tpu.memory_space<semaphore_mem>>) src(%dma_wait3A_18 : memref<128x320xi32, #tpu.memory_space<hbm>>) dst(%arg6 : memref<128x320xi32, #tpu.memory_space<vmem>>)
      tpu.yield
    }) : () -> ()
    %broadcast_in_dim3A = arith.constant 3.125000e-03 : f32
    %broadcast_in_dim3A_3 = vector.broadcast %broadcast_in_dim3A : f32 to vector<16xf32>
    %broadcast_in_dim3A_4 = arith.constant 16 : i32
    %broadcast_in_dim3A_5 = vector.broadcast %broadcast_in_dim3A_4 : i32 to vector<16xi32>
    %broadcast_in_dim3A_6 = arith.constant 0.000000e+00 : f32
    %broadcast_in_dim3A_7 = vector.broadcast %broadcast_in_dim3A_6 : f32 to vector<16xf32>
    %scan3A = arith.constant 0 : i32
    %scan3A_8 = arith.constant 0 : i32
    %scan3A_9 = arith.constant 128 : i32
    %scan3A_10 = arith.addi %scan3A_8, %scan3A_9 : i32
    %scan3A_11 = arith.constant 1 : i32
    scf.for %scan3A_13 = %scan3A_8 to %scan3A_10 step %scan3A_11  : i32 {
      %scan3A_14 = arith.constant 0 : i32
      %scan3A_15 = arith.constant 20 : i32
      %scan3A_16 = arith.addi %scan3A_14, %scan3A_15 : i32
      %scan3A_17 = arith.constant 1 : i32
      %scan3A_18:4 = scf.for %scan3A_43 = %scan3A_14 to %scan3A_16 step %scan3A_17 iter_args(%scan3A_44 = %broadcast_in_dim3A_7, %scan3A_45 = %broadcast_in_dim3A_7, %scan3A_46 = %broadcast_in_dim3A_7, %scan3A_47 = %broadcast_in_dim3A_7) -> (vector<16xf32>, vector<16xf32>, vector<16xf32>, vector<16xf32>)  : i32 {
        %mul3A_48 = arith.constant 16 : i32
        %mul3A_49 = arith.muli %scan3A_43, %mul3A_48 : i32
        %get3A = arith.index_cast %scan3A_13 : i32 to index
        %get3A_50 = arith.index_cast %mul3A_49 : i32 to index
        %get3A_51 = tpu.vector_load %arg6[%get3A, %get3A_50] {strides = array<i32>} : memref<128x320xi32, #tpu.memory_space<vmem>>, vector<1x16xi32>,
        %get3A_52 = vector.shape_cast %get3A_51 : vector<1x16xi32> to vector<16xi32>
        %slice3A = vector.extract_strided_slice %get3A_52 {offsets = [0], sizes = [1], strides = [1]} : vector<16xi32> to vector<1xi32>
        %squeeze3A = vector.extract %slice3A[0] : i32 from vector<1xi32>
        %get3A_53 = arith.index_cast %squeeze3A : i32 to index
        %get3A_54 = arith.constant 0 : index
        %get3A_55 = tpu.vector_load %arg5[%get3A_53, %get3A_54] {strides = array<i32>} : memref<1000x32xi32, #tpu.memory_space<vmem>>, vector<1x16xi32>,
        %get3A_56 = vector.shape_cast %get3A_55 : vector<1x16xi32> to vector<16xi32>
        %get3A_57 = arith.index_cast %squeeze3A : i32 to index
        %get3A_58 = arith.constant 16 : index
        %get3A_59 = tpu.vector_load %arg5[%get3A_57, %get3A_58] {strides = array<i32>} : memref<1000x32xi32, #tpu.memory_space<vmem>>, vector<1x16xi32>,
        %get3A_60 = vector.shape_cast %get3A_59 : vector<1x16xi32> to vector<16xi32>
        %shift_left3A = arith.shli %get3A_56, %broadcast_in_dim3A_5 : vector<16xi32>
        %bitcast_convert_type3A = tpu.bitcast %shift_left3A : vector<16xi32> -> vector<16xf32>
        %add3A_61 = arith.addf %scan3A_44, %bitcast_convert_type3A : vector<16xf32>
        %bitcast_convert_type3A_62 = tpu.bitcast %get3A_56 : vector<16xi32> -> vector<16xf32>
        %add3A_63 = arith.addf %scan3A_45, %bitcast_convert_type3A_62 : vector<16xf32>
        %shift_left3A_64 = arith.shli %get3A_60, %broadcast_in_dim3A_5 : vector<16xi32>
        %bitcast_convert_type3A_65 = tpu.bitcast %shift_left3A_64 : vector<16xi32> -> vector<16xf32>
        %add3A_66 = arith.addf %scan3A_46, %bitcast_convert_type3A_65 : vector<16xf32>
        %bitcast_convert_type3A_67 = tpu.bitcast %get3A_60 : vector<16xi32> -> vector<16xf32>
        %add3A_68 = arith.addf %scan3A_47, %bitcast_convert_type3A_67 : vector<16xf32>
        %slice3A_69 = vector.extract_strided_slice %get3A_52 {offsets = [1], sizes = [1], strides = [1]} : vector<16xi32> to vector<1xi32>
        %squeeze3A_70 = vector.extract %slice3A_69[0] : i32 from vector<1xi32>
        %get3A_71 = arith.index_cast %squeeze3A_70 : i32 to index
        %get3A_72 = arith.constant 0 : index
        %get3A_73 = tpu.vector_load %arg5[%get3A_71, %get3A_72] {strides = array<i32>} : memref<1000x32xi32, #tpu.memory_space<vmem>>, vector<1x16xi32>,
        %get3A_74 = vector.shape_cast %get3A_73 : vector<1x16xi32> to vector<16xi32>
        %get3A_75 = arith.index_cast %squeeze3A_70 : i32 to index
        %get3A_76 = arith.constant 16 : index
        %get3A_77 = tpu.vector_load %arg5[%get3A_75, %get3A_76] {strides = array<i32>} : memref<1000x32xi32, #tpu.memory_space<vmem>>, vector<1x16xi32>,
        %get3A_78 = vector.shape_cast %get3A_77 : vector<1x16xi32> to vector<16xi32>
        %shift_left3A_79 = arith.shli %get3A_74, %broadcast_in_dim3A_5 : vector<16xi32>
        %bitcast_convert_type3A_80 = tpu.bitcast %shift_left3A_79 : vector<16xi32> -> vector<16xf32>
        %add3A_81 = arith.addf %add3A_61, %bitcast_convert_type3A_80 : vector<16xf32>
        %bitcast_convert_type3A_82 = tpu.bitcast %get3A_74 : vector<16xi32> -> vector<16xf32>
        %add3A_83 = arith.addf %add3A_63, %bitcast_convert_type3A_82 : vector<16xf32>
        %shift_left3A_84 = arith.shli %get3A_78, %broadcast_in_dim3A_5 : vector<16xi32>
        %bitcast_convert_type3A_85 = tpu.bitcast %shift_left3A_84 : vector<16xi32> -> vector<16xf32>
        %add3A_86 = arith.addf %add3A_66, %bitcast_convert_type3A_85 : vector<16xf32>
        %bitcast_convert_type3A_87 = tpu.bitcast %get3A_78 : vector<16xi32> -> vector<16xf32>
        %add3A_88 = arith.addf %add3A_68, %bitcast_convert_type3A_87 : vector<16xf32>
        %slice3A_89 = vector.extract_strided_slice %get3A_52 {offsets = [2], sizes = [1], strides = [1]} : vector<16xi32> to vector<1xi32>
        %squeeze3A_90 = vector.extract %slice3A_89[0] : i32 from vector<1xi32>
        %get3A_91 = arith.index_cast %squeeze3A_90 : i32 to index
        %get3A_92 = arith.constant 0 : index
        %get3A_93 = tpu.vector_load %arg5[%get3A_91, %get3A_92] {strides = array<i32>} : memref<1000x32xi32, #tpu.memory_space<vmem>>, vector<1x16xi32>,
        %get3A_94 = vector.shape_cast %get3A_93 : vector<1x16xi32> to vector<16xi32>
        %get3A_95 = arith.index_cast %squeeze3A_90 : i32 to index
        %get3A_96 = arith.constant 16 : index
        %get3A_97 = tpu.vector_load %arg5[%get3A_95, %get3A_96] {strides = array<i32>} : memref<1000x32xi32, #tpu.memory_space<vmem>>, vector<1x16xi32>,
        %get3A_98 = vector.shape_cast %get3A_97 : vector<1x16xi32> to vector<16xi32>
        %shift_left3A_99 = arith.shli %get3A_94, %broadcast_in_dim3A_5 : vector<16xi32>
        %bitcast_convert_type3A_100 = tpu.bitcast %shift_left3A_99 : vector<16xi32> -> vector<16xf32>
        %add3A_101 = arith.addf %add3A_81, %bitcast_convert_type3A_100 : vector<16xf32>
        %bitcast_convert_type3A_102 = tpu.bitcast %get3A_94 : vector<16xi32> -> vector<16xf32>
        %add3A_103 = arith.addf %add3A_83, %bitcast_convert_type3A_102 : vector<16xf32>
        %shift_left3A_104 = arith.shli %get3A_98, %broadcast_in_dim3A_5 : vector<16xi32>
        %bitcast_convert_type3A_105 = tpu.bitcast %shift_left3A_104 : vector<16xi32> -> vector<16xf32>
        %add3A_106 = arith.addf %add3A_86, %bitcast_convert_type3A_105 : vector<16xf32>
        %bitcast_convert_type3A_107 = tpu.bitcast %get3A_98 : vector<16xi32> -> vector<16xf32>
        %add3A_108 = arith.addf %add3A_88, %bitcast_convert_type3A_107 : vector<16xf32>
        %slice3A_109 = vector.extract_strided_slice %get3A_52 {offsets = [3], sizes = [1], strides = [1]} : vector<16xi32> to vector<1xi32>
        %squeeze3A_110 = vector.extract %slice3A_109[0] : i32 from vector<1xi32>
        %get3A_111 = arith.index_cast %squeeze3A_110 : i32 to index
        %get3A_112 = arith.constant 0 : index
        %get3A_113 = tpu.vector_load %arg5[%get3A_111, %get3A_112] {strides = array<i32>} : memref<1000x32xi32, #tpu.memory_space<vmem>>, vector<1x16xi32>,
        %get3A_114 = vector.shape_cast %get3A_113 : vector<1x16xi32> to vector<16xi32>
        %get3A_115 = arith.index_cast %squeeze3A_110 : i32 to index
        %get3A_116 = arith.constant 16 : index
        %get3A_117 = tpu.vector_load %arg5[%get3A_115, %get3A_116] {strides = array<i32>} : memref<1000x32xi32, #tpu.memory_space<vmem>>, vector<1x16xi32>,
        %get3A_118 = vector.shape_cast %get3A_117 : vector<1x16xi32> to vector<16xi32>
        %shift_left3A_119 = arith.shli %get3A_114, %broadcast_in_dim3A_5 : vector<16xi32>
        %bitcast_convert_type3A_120 = tpu.bitcast %shift_left3A_119 : vector<16xi32> -> vector<16xf32>
        %add3A_121 = arith.addf %add3A_101, %bitcast_convert_type3A_120 : vector<16xf32>
        %bitcast_convert_type3A_122 = tpu.bitcast %get3A_114 : vector<16xi32> -> vector<16xf32>
        %add3A_123 = arith.addf %add3A_103, %bitcast_convert_type3A_122 : vector<16xf32>
        %shift_left3A_124 = arith.shli %get3A_118, %broadcast_in_dim3A_5 : vector<16xi32>
        %bitcast_convert_type3A_125 = tpu.bitcast %shift_left3A_124 : vector<16xi32> -> vector<16xf32>
        %add3A_126 = arith.addf %add3A_106, %bitcast_convert_type3A_125 : vector<16xf32>
        %bitcast_convert_type3A_127 = tpu.bitcast %get3A_118 : vector<16xi32> -> vector<16xf32>
        %add3A_128 = arith.addf %add3A_108, %bitcast_convert_type3A_127 : vector<16xf32>
        %slice3A_129 = vector.extract_strided_slice %get3A_52 {offsets = [4], sizes = [1], strides = [1]} : vector<16xi32> to vector<1xi32>
        %squeeze3A_130 = vector.extract %slice3A_129[0] : i32 from vector<1xi32>
        %get3A_131 = arith.index_cast %squeeze3A_130 : i32 to index
        %get3A_132 = arith.constant 0 : index
        %get3A_133 = tpu.vector_load %arg5[%get3A_131, %get3A_132] {strides = array<i32>} : memref<1000x32xi32, #tpu.memory_space<vmem>>, vector<1x16xi32>,
        %get3A_134 = vector.shape_cast %get3A_133 : vector<1x16xi32> to vector<16xi32>
        %get3A_135 = arith.index_cast %squeeze3A_130 : i32 to index
        %get3A_136 = arith.constant 16 : index
        %get3A_137 = tpu.vector_load %arg5[%get3A_135, %get3A_136] {strides = array<i32>} : memref<1000x32xi32, #tpu.memory_space<vmem>>, vector<1x16xi32>,
        %get3A_138 = vector.shape_cast %get3A_137 : vector<1x16xi32> to vector<16xi32>
        %shift_left3A_139 = arith.shli %get3A_134, %broadcast_in_dim3A_5 : vector<16xi32>
        %bitcast_convert_type3A_140 = tpu.bitcast %shift_left3A_139 : vector<16xi32> -> vector<16xf32>
        %add3A_141 = arith.addf %add3A_121, %bitcast_convert_type3A_140 : vector<16xf32>
        %bitcast_convert_type3A_142 = tpu.bitcast %get3A_134 : vector<16xi32> -> vector<16xf32>
        %add3A_143 = arith.addf %add3A_123, %bitcast_convert_type3A_142 : vector<16xf32>
        %shift_left3A_144 = arith.shli %get3A_138, %broadcast_in_dim3A_5 : vector<16xi32>
        %bitcast_convert_type3A_145 = tpu.bitcast %shift_left3A_144 : vector<16xi32> -> vector<16xf32>
        %add3A_146 = arith.addf %add3A_126, %bitcast_convert_type3A_145 : vector<16xf32>
        %bitcast_convert_type3A_147 = tpu.bitcast %get3A_138 : vector<16xi32> -> vector<16xf32>
        %add3A_148 = arith.addf %add3A_128, %bitcast_convert_type3A_147 : vector<16xf32>
        %slice3A_149 = vector.extract_strided_slice %get3A_52 {offsets = [5], sizes = [1], strides = [1]} : vector<16xi32> to vector<1xi32>
        %squeeze3A_150 = vector.extract %slice3A_149[0] : i32 from vector<1xi32>
        %get3A_151 = arith.index_cast %squeeze3A_150 : i32 to index
        %get3A_152 = arith.constant 0 : index
        %get3A_153 = tpu.vector_load %arg5[%get3A_151, %get3A_152] {strides = array<i32>} : memref<1000x32xi32, #tpu.memory_space<vmem>>, vector<1x16xi32>,
        %get3A_154 = vector.shape_cast %get3A_153 : vector<1x16xi32> to vector<16xi32>
        %get3A_155 = arith.index_cast %squeeze3A_150 : i32 to index
        %get3A_156 = arith.constant 16 : index
        %get3A_157 = tpu.vector_load %arg5[%get3A_155, %get3A_156] {strides = array<i32>} : memref<1000x32xi32, #tpu.memory_space<vmem>>, vector<1x16xi32>,
        %get3A_158 = vector.shape_cast %get3A_157 : vector<1x16xi32> to vector<16xi32>
        %shift_left3A_159 = arith.shli %get3A_154, %broadcast_in_dim3A_5 : vector<16xi32>
        %bitcast_convert_type3A_160 = tpu.bitcast %shift_left3A_159 : vector<16xi32> -> vector<16xf32>
        %add3A_161 = arith.addf %add3A_141, %bitcast_convert_type3A_160 : vector<16xf32>
        %bitcast_convert_type3A_162 = tpu.bitcast %get3A_154 : vector<16xi32> -> vector<16xf32>
        %add3A_163 = arith.addf %add3A_143, %bitcast_convert_type3A_162 : vector<16xf32>
        %shift_left3A_164 = arith.shli %get3A_158, %broadcast_in_dim3A_5 : vector<16xi32>
        %bitcast_convert_type3A_165 = tpu.bitcast %shift_left3A_164 : vector<16xi32> -> vector<16xf32>
        %add3A_166 = arith.addf %add3A_146, %bitcast_convert_type3A_165 : vector<16xf32>
        %bitcast_convert_type3A_167 = tpu.bitcast %get3A_158 : vector<16xi32> -> vector<16xf32>
        %add3A_168 = arith.addf %add3A_148, %bitcast_convert_type3A_167 : vector<16xf32>
        %slice3A_169 = vector.extract_strided_slice %get3A_52 {offsets = [6], sizes = [1], strides = [1]} : vector<16xi32> to vector<1xi32>
        %squeeze3A_170 = vector.extract %slice3A_169[0] : i32 from vector<1xi32>
        %get3A_171 = arith.index_cast %squeeze3A_170 : i32 to index
        %get3A_172 = arith.constant 0 : index
        %get3A_173 = tpu.vector_load %arg5[%get3A_171, %get3A_172] {strides = array<i32>} : memref<1000x32xi32, #tpu.memory_space<vmem>>, vector<1x16xi32>,
        %get3A_174 = vector.shape_cast %get3A_173 : vector<1x16xi32> to vector<16xi32>
        %get3A_175 = arith.index_cast %squeeze3A_170 : i32 to index
        %get3A_176 = arith.constant 16 : index
        %get3A_177 = tpu.vector_load %arg5[%get3A_175, %get3A_176] {strides = array<i32>} : memref<1000x32xi32, #tpu.memory_space<vmem>>, vector<1x16xi32>,
        %get3A_178 = vector.shape_cast %get3A_177 : vector<1x16xi32> to vector<16xi32>
        %shift_left3A_179 = arith.shli %get3A_174, %broadcast_in_dim3A_5 : vector<16xi32>
        %bitcast_convert_type3A_180 = tpu.bitcast %shift_left3A_179 : vector<16xi32> -> vector<16xf32>
        %add3A_181 = arith.addf %add3A_161, %bitcast_convert_type3A_180 : vector<16xf32>
        %bitcast_convert_type3A_182 = tpu.bitcast %get3A_174 : vector<16xi32> -> vector<16xf32>
        %add3A_183 = arith.addf %add3A_163, %bitcast_convert_type3A_182 : vector<16xf32>
        %shift_left3A_184 = arith.shli %get3A_178, %broadcast_in_dim3A_5 : vector<16xi32>
        %bitcast_convert_type3A_185 = tpu.bitcast %shift_left3A_184 : vector<16xi32> -> vector<16xf32>
        %add3A_186 = arith.addf %add3A_166, %bitcast_convert_type3A_185 : vector<16xf32>
        %bitcast_convert_type3A_187 = tpu.bitcast %get3A_178 : vector<16xi32> -> vector<16xf32>
        %add3A_188 = arith.addf %add3A_168, %bitcast_convert_type3A_187 : vector<16xf32>
        %slice3A_189 = vector.extract_strided_slice %get3A_52 {offsets = [7], sizes = [1], strides = [1]} : vector<16xi32> to vector<1xi32>
        %squeeze3A_190 = vector.extract %slice3A_189[0] : i32 from vector<1xi32>
        %get3A_191 = arith.index_cast %squeeze3A_190 : i32 to index
        %get3A_192 = arith.constant 0 : index
        %get3A_193 = tpu.vector_load %arg5[%get3A_191, %get3A_192] {strides = array<i32>} : memref<1000x32xi32, #tpu.memory_space<vmem>>, vector<1x16xi32>,
        %get3A_194 = vector.shape_cast %get3A_193 : vector<1x16xi32> to vector<16xi32>
        %get3A_195 = arith.index_cast %squeeze3A_190 : i32 to index
        %get3A_196 = arith.constant 16 : index
        %get3A_197 = tpu.vector_load %arg5[%get3A_195, %get3A_196] {strides = array<i32>} : memref<1000x32xi32, #tpu.memory_space<vmem>>, vector<1x16xi32>,
        %get3A_198 = vector.shape_cast %get3A_197 : vector<1x16xi32> to vector<16xi32>
        %shift_left3A_199 = arith.shli %get3A_194, %broadcast_in_dim3A_5 : vector<16xi32>
        %bitcast_convert_type3A_200 = tpu.bitcast %shift_left3A_199 : vector<16xi32> -> vector<16xf32>
        %add3A_201 = arith.addf %add3A_181, %bitcast_convert_type3A_200 : vector<16xf32>
        %bitcast_convert_type3A_202 = tpu.bitcast %get3A_194 : vector<16xi32> -> vector<16xf32>
        %add3A_203 = arith.addf %add3A_183, %bitcast_convert_type3A_202 : vector<16xf32>
        %shift_left3A_204 = arith.shli %get3A_198, %broadcast_in_dim3A_5 : vector<16xi32>
        %bitcast_convert_type3A_205 = tpu.bitcast %shift_left3A_204 : vector<16xi32> -> vector<16xf32>
        %add3A_206 = arith.addf %add3A_186, %bitcast_convert_type3A_205 : vector<16xf32>
        %bitcast_convert_type3A_207 = tpu.bitcast %get3A_198 : vector<16xi32> -> vector<16xf32>
        %add3A_208 = arith.addf %add3A_188, %bitcast_convert_type3A_207 : vector<16xf32>
        %slice3A_209 = vector.extract_strided_slice %get3A_52 {offsets = [8], sizes = [1], strides = [1]} : vector<16xi32> to vector<1xi32>
        %squeeze3A_210 = vector.extract %slice3A_209[0] : i32 from vector<1xi32>
        %get3A_211 = arith.index_cast %squeeze3A_210 : i32 to index
        %get3A_212 = arith.constant 0 : index
        %get3A_213 = tpu.vector_load %arg5[%get3A_211, %get3A_212] {strides = array<i32>} : memref<1000x32xi32, #tpu.memory_space<vmem>>, vector<1x16xi32>,
        %get3A_214 = vector.shape_cast %get3A_213 : vector<1x16xi32> to vector<16xi32>
        %get3A_215 = arith.index_cast %squeeze3A_210 : i32 to index
        %get3A_216 = arith.constant 16 : index
        %get3A_217 = tpu.vector_load %arg5[%get3A_215, %get3A_216] {strides = array<i32>} : memref<1000x32xi32, #tpu.memory_space<vmem>>, vector<1x16xi32>,
        %get3A_218 = vector.shape_cast %get3A_217 : vector<1x16xi32> to vector<16xi32>
        %shift_left3A_219 = arith.shli %get3A_214, %broadcast_in_dim3A_5 : vector<16xi32>
        %bitcast_convert_type3A_220 = tpu.bitcast %shift_left3A_219 : vector<16xi32> -> vector<16xf32>
        %add3A_221 = arith.addf %add3A_201, %bitcast_convert_type3A_220 : vector<16xf32>
        %bitcast_convert_type3A_222 = tpu.bitcast %get3A_214 : vector<16xi32> -> vector<16xf32>
        %add3A_223 = arith.addf %add3A_203, %bitcast_convert_type3A_222 : vector<16xf32>
        %shift_left3A_224 = arith.shli %get3A_218, %broadcast_in_dim3A_5 : vector<16xi32>
        %bitcast_convert_type3A_225 = tpu.bitcast %shift_left3A_224 : vector<16xi32> -> vector<16xf32>
        %add3A_226 = arith.addf %add3A_206, %bitcast_convert_type3A_225 : vector<16xf32>
        %bitcast_convert_type3A_227 = tpu.bitcast %get3A_218 : vector<16xi32> -> vector<16xf32>
        %add3A_228 = arith.addf %add3A_208, %bitcast_convert_type3A_227 : vector<16xf32>
        %slice3A_229 = vector.extract_strided_slice %get3A_52 {offsets = [9], sizes = [1], strides = [1]} : vector<16xi32> to vector<1xi32>
        %squeeze3A_230 = vector.extract %slice3A_229[0] : i32 from vector<1xi32>
        %get3A_231 = arith.index_cast %squeeze3A_230 : i32 to index
        %get3A_232 = arith.constant 0 : index
        %get3A_233 = tpu.vector_load %arg5[%get3A_231, %get3A_232] {strides = array<i32>} : memref<1000x32xi32, #tpu.memory_space<vmem>>, vector<1x16xi32>,
        %get3A_234 = vector.shape_cast %get3A_233 : vector<1x16xi32> to vector<16xi32>
        %get3A_235 = arith.index_cast %squeeze3A_230 : i32 to index
        %get3A_236 = arith.constant 16 : index
        %get3A_237 = tpu.vector_load %arg5[%get3A_235, %get3A_236] {strides = array<i32>} : memref<1000x32xi32, #tpu.memory_space<vmem>>, vector<1x16xi32>,
        %get3A_238 = vector.shape_cast %get3A_237 : vector<1x16xi32> to vector<16xi32>
        %shift_left3A_239 = arith.shli %get3A_234, %broadcast_in_dim3A_5 : vector<16xi32>
        %bitcast_convert_type3A_240 = tpu.bitcast %shift_left3A_239 : vector<16xi32> -> vector<16xf32>
        %add3A_241 = arith.addf %add3A_221, %bitcast_convert_type3A_240 : vector<16xf32>
        %bitcast_convert_type3A_242 = tpu.bitcast %get3A_234 : vector<16xi32> -> vector<16xf32>
        %add3A_243 = arith.addf %add3A_223, %bitcast_convert_type3A_242 : vector<16xf32>
        %shift_left3A_244 = arith.shli %get3A_238, %broadcast_in_dim3A_5 : vector<16xi32>
        %bitcast_convert_type3A_245 = tpu.bitcast %shift_left3A_244 : vector<16xi32> -> vector<16xf32>
        %add3A_246 = arith.addf %add3A_226, %bitcast_convert_type3A_245 : vector<16xf32>
        %bitcast_convert_type3A_247 = tpu.bitcast %get3A_238 : vector<16xi32> -> vector<16xf32>
        %add3A_248 = arith.addf %add3A_228, %bitcast_convert_type3A_247 : vector<16xf32>
        %slice3A_249 = vector.extract_strided_slice %get3A_52 {offsets = [10], sizes = [1], strides = [1]} : vector<16xi32> to vector<1xi32>
        %squeeze3A_250 = vector.extract %slice3A_249[0] : i32 from vector<1xi32>
        %get3A_251 = arith.index_cast %squeeze3A_250 : i32 to index
        %get3A_252 = arith.constant 0 : index
        %get3A_253 = tpu.vector_load %arg5[%get3A_251, %get3A_252] {strides = array<i32>} : memref<1000x32xi32, #tpu.memory_space<vmem>>, vector<1x16xi32>,
        %get3A_254 = vector.shape_cast %get3A_253 : vector<1x16xi32> to vector<16xi32>
        %get3A_255 = arith.index_cast %squeeze3A_250 : i32 to index
        %get3A_256 = arith.constant 16 : index
        %get3A_257 = tpu.vector_load %arg5[%get3A_255, %get3A_256] {strides = array<i32>} : memref<1000x32xi32, #tpu.memory_space<vmem>>, vector<1x16xi32>,
        %get3A_258 = vector.shape_cast %get3A_257 : vector<1x16xi32> to vector<16xi32>
        %shift_left3A_259 = arith.shli %get3A_254, %broadcast_in_dim3A_5 : vector<16xi32>
        %bitcast_convert_type3A_260 = tpu.bitcast %shift_left3A_259 : vector<16xi32> -> vector<16xf32>
        %add3A_261 = arith.addf %add3A_241, %bitcast_convert_type3A_260 : vector<16xf32>
        %bitcast_convert_type3A_262 = tpu.bitcast %get3A_254 : vector<16xi32> -> vector<16xf32>
        %add3A_263 = arith.addf %add3A_243, %bitcast_convert_type3A_262 : vector<16xf32>
        %shift_left3A_264 = arith.shli %get3A_258, %broadcast_in_dim3A_5 : vector<16xi32>
        %bitcast_convert_type3A_265 = tpu.bitcast %shift_left3A_264 : vector<16xi32> -> vector<16xf32>
        %add3A_266 = arith.addf %add3A_246, %bitcast_convert_type3A_265 : vector<16xf32>
        %bitcast_convert_type3A_267 = tpu.bitcast %get3A_258 : vector<16xi32> -> vector<16xf32>
        %add3A_268 = arith.addf %add3A_248, %bitcast_convert_type3A_267 : vector<16xf32>
        %slice3A_269 = vector.extract_strided_slice %get3A_52 {offsets = [11], sizes = [1], strides = [1]} : vector<16xi32> to vector<1xi32>
        %squeeze3A_270 = vector.extract %slice3A_269[0] : i32 from vector<1xi32>
        %get3A_271 = arith.index_cast %squeeze3A_270 : i32 to index
        %get3A_272 = arith.constant 0 : index
        %get3A_273 = tpu.vector_load %arg5[%get3A_271, %get3A_272] {strides = array<i32>} : memref<1000x32xi32, #tpu.memory_space<vmem>>, vector<1x16xi32>,
        %get3A_274 = vector.shape_cast %get3A_273 : vector<1x16xi32> to vector<16xi32>
        %get3A_275 = arith.index_cast %squeeze3A_270 : i32 to index
        %get3A_276 = arith.constant 16 : index
        %get3A_277 = tpu.vector_load %arg5[%get3A_275, %get3A_276] {strides = array<i32>} : memref<1000x32xi32, #tpu.memory_space<vmem>>, vector<1x16xi32>,
        %get3A_278 = vector.shape_cast %get3A_277 : vector<1x16xi32> to vector<16xi32>
        %shift_left3A_279 = arith.shli %get3A_274, %broadcast_in_dim3A_5 : vector<16xi32>
        %bitcast_convert_type3A_280 = tpu.bitcast %shift_left3A_279 : vector<16xi32> -> vector<16xf32>
        %add3A_281 = arith.addf %add3A_261, %bitcast_convert_type3A_280 : vector<16xf32>
        %bitcast_convert_type3A_282 = tpu.bitcast %get3A_274 : vector<16xi32> -> vector<16xf32>
        %add3A_283 = arith.addf %add3A_263, %bitcast_convert_type3A_282 : vector<16xf32>
        %shift_left3A_284 = arith.shli %get3A_278, %broadcast_in_dim3A_5 : vector<16xi32>
        %bitcast_convert_type3A_285 = tpu.bitcast %shift_left3A_284 : vector<16xi32> -> vector<16xf32>
        %add3A_286 = arith.addf %add3A_266, %bitcast_convert_type3A_285 : vector<16xf32>
        %bitcast_convert_type3A_287 = tpu.bitcast %get3A_278 : vector<16xi32> -> vector<16xf32>
        %add3A_288 = arith.addf %add3A_268, %bitcast_convert_type3A_287 : vector<16xf32>
        %slice3A_289 = vector.extract_strided_slice %get3A_52 {offsets = [12], sizes = [1], strides = [1]} : vector<16xi32> to vector<1xi32>
        %squeeze3A_290 = vector.extract %slice3A_289[0] : i32 from vector<1xi32>
        %get3A_291 = arith.index_cast %squeeze3A_290 : i32 to index
        %get3A_292 = arith.constant 0 : index
        %get3A_293 = tpu.vector_load %arg5[%get3A_291, %get3A_292] {strides = array<i32>} : memref<1000x32xi32, #tpu.memory_space<vmem>>, vector<1x16xi32>,
        %get3A_294 = vector.shape_cast %get3A_293 : vector<1x16xi32> to vector<16xi32>
        %get3A_295 = arith.index_cast %squeeze3A_290 : i32 to index
        %get3A_296 = arith.constant 16 : index
        %get3A_297 = tpu.vector_load %arg5[%get3A_295, %get3A_296] {strides = array<i32>} : memref<1000x32xi32, #tpu.memory_space<vmem>>, vector<1x16xi32>,
        %get3A_298 = vector.shape_cast %get3A_297 : vector<1x16xi32> to vector<16xi32>
        %shift_left3A_299 = arith.shli %get3A_294, %broadcast_in_dim3A_5 : vector<16xi32>
        %bitcast_convert_type3A_300 = tpu.bitcast %shift_left3A_299 : vector<16xi32> -> vector<16xf32>
        %add3A_301 = arith.addf %add3A_281, %bitcast_convert_type3A_300 : vector<16xf32>
        %bitcast_convert_type3A_302 = tpu.bitcast %get3A_294 : vector<16xi32> -> vector<16xf32>
        %add3A_303 = arith.addf %add3A_283, %bitcast_convert_type3A_302 : vector<16xf32>
        %shift_left3A_304 = arith.shli %get3A_298, %broadcast_in_dim3A_5 : vector<16xi32>
        %bitcast_convert_type3A_305 = tpu.bitcast %shift_left3A_304 : vector<16xi32> -> vector<16xf32>
        %add3A_306 = arith.addf %add3A_286, %bitcast_convert_type3A_305 : vector<16xf32>
        %bitcast_convert_type3A_307 = tpu.bitcast %get3A_298 : vector<16xi32> -> vector<16xf32>
        %add3A_308 = arith.addf %add3A_288, %bitcast_convert_type3A_307 : vector<16xf32>
        %slice3A_309 = vector.extract_strided_slice %get3A_52 {offsets = [13], sizes = [1], strides = [1]} : vector<16xi32> to vector<1xi32>
        %squeeze3A_310 = vector.extract %slice3A_309[0] : i32 from vector<1xi32>
        %get3A_311 = arith.index_cast %squeeze3A_310 : i32 to index
        %get3A_312 = arith.constant 0 : index
        %get3A_313 = tpu.vector_load %arg5[%get3A_311, %get3A_312] {strides = array<i32>} : memref<1000x32xi32, #tpu.memory_space<vmem>>, vector<1x16xi32>,
        %get3A_314 = vector.shape_cast %get3A_313 : vector<1x16xi32> to vector<16xi32>
        %get3A_315 = arith.index_cast %squeeze3A_310 : i32 to index
        %get3A_316 = arith.constant 16 : index
        %get3A_317 = tpu.vector_load %arg5[%get3A_315, %get3A_316] {strides = array<i32>} : memref<1000x32xi32, #tpu.memory_space<vmem>>, vector<1x16xi32>,
        %get3A_318 = vector.shape_cast %get3A_317 : vector<1x16xi32> to vector<16xi32>
        %shift_left3A_319 = arith.shli %get3A_314, %broadcast_in_dim3A_5 : vector<16xi32>
        %bitcast_convert_type3A_320 = tpu.bitcast %shift_left3A_319 : vector<16xi32> -> vector<16xf32>
        %add3A_321 = arith.addf %add3A_301, %bitcast_convert_type3A_320 : vector<16xf32>
        %bitcast_convert_type3A_322 = tpu.bitcast %get3A_314 : vector<16xi32> -> vector<16xf32>
        %add3A_323 = arith.addf %add3A_303, %bitcast_convert_type3A_322 : vector<16xf32>
        %shift_left3A_324 = arith.shli %get3A_318, %broadcast_in_dim3A_5 : vector<16xi32>
        %bitcast_convert_type3A_325 = tpu.bitcast %shift_left3A_324 : vector<16xi32> -> vector<16xf32>
        %add3A_326 = arith.addf %add3A_306, %bitcast_convert_type3A_325 : vector<16xf32>
        %bitcast_convert_type3A_327 = tpu.bitcast %get3A_318 : vector<16xi32> -> vector<16xf32>
        %add3A_328 = arith.addf %add3A_308, %bitcast_convert_type3A_327 : vector<16xf32>
        %slice3A_329 = vector.extract_strided_slice %get3A_52 {offsets = [14], sizes = [1], strides = [1]} : vector<16xi32> to vector<1xi32>
        %squeeze3A_330 = vector.extract %slice3A_329[0] : i32 from vector<1xi32>
        %get3A_331 = arith.index_cast %squeeze3A_330 : i32 to index
        %get3A_332 = arith.constant 0 : index
        %get3A_333 = tpu.vector_load %arg5[%get3A_331, %get3A_332] {strides = array<i32>} : memref<1000x32xi32, #tpu.memory_space<vmem>>, vector<1x16xi32>,
        %get3A_334 = vector.shape_cast %get3A_333 : vector<1x16xi32> to vector<16xi32>
        %get3A_335 = arith.index_cast %squeeze3A_330 : i32 to index
        %get3A_336 = arith.constant 16 : index
        %get3A_337 = tpu.vector_load %arg5[%get3A_335, %get3A_336] {strides = array<i32>} : memref<1000x32xi32, #tpu.memory_space<vmem>>, vector<1x16xi32>,
        %get3A_338 = vector.shape_cast %get3A_337 : vector<1x16xi32> to vector<16xi32>
        %shift_left3A_339 = arith.shli %get3A_334, %broadcast_in_dim3A_5 : vector<16xi32>
        %bitcast_convert_type3A_340 = tpu.bitcast %shift_left3A_339 : vector<16xi32> -> vector<16xf32>
        %add3A_341 = arith.addf %add3A_321, %bitcast_convert_type3A_340 : vector<16xf32>
        %bitcast_convert_type3A_342 = tpu.bitcast %get3A_334 : vector<16xi32> -> vector<16xf32>
        %add3A_343 = arith.addf %add3A_323, %bitcast_convert_type3A_342 : vector<16xf32>
        %shift_left3A_344 = arith.shli %get3A_338, %broadcast_in_dim3A_5 : vector<16xi32>
        %bitcast_convert_type3A_345 = tpu.bitcast %shift_left3A_344 : vector<16xi32> -> vector<16xf32>
        %add3A_346 = arith.addf %add3A_326, %bitcast_convert_type3A_345 : vector<16xf32>
        %bitcast_convert_type3A_347 = tpu.bitcast %get3A_338 : vector<16xi32> -> vector<16xf32>
        %add3A_348 = arith.addf %add3A_328, %bitcast_convert_type3A_347 : vector<16xf32>
        %slice3A_349 = vector.extract_strided_slice %get3A_52 {offsets = [15], sizes = [1], strides = [1]} : vector<16xi32> to vector<1xi32>
        %squeeze3A_350 = vector.extract %slice3A_349[0] : i32 from vector<1xi32>
        %get3A_351 = arith.index_cast %squeeze3A_350 : i32 to index
        %get3A_352 = arith.constant 0 : index
        %get3A_353 = tpu.vector_load %arg5[%get3A_351, %get3A_352] {strides = array<i32>} : memref<1000x32xi32, #tpu.memory_space<vmem>>, vector<1x16xi32>,
        %get3A_354 = vector.shape_cast %get3A_353 : vector<1x16xi32> to vector<16xi32>
        %get3A_355 = arith.index_cast %squeeze3A_350 : i32 to index
        %get3A_356 = arith.constant 16 : index
        %get3A_357 = tpu.vector_load %arg5[%get3A_355, %get3A_356] {strides = array<i32>} : memref<1000x32xi32, #tpu.memory_space<vmem>>, vector<1x16xi32>,
        %get3A_358 = vector.shape_cast %get3A_357 : vector<1x16xi32> to vector<16xi32>
        %shift_left3A_359 = arith.shli %get3A_354, %broadcast_in_dim3A_5 : vector<16xi32>
        %bitcast_convert_type3A_360 = tpu.bitcast %shift_left3A_359 : vector<16xi32> -> vector<16xf32>
        %add3A_361 = arith.addf %add3A_341, %bitcast_convert_type3A_360 : vector<16xf32>
        %bitcast_convert_type3A_362 = tpu.bitcast %get3A_354 : vector<16xi32> -> vector<16xf32>
        %add3A_363 = arith.addf %add3A_343, %bitcast_convert_type3A_362 : vector<16xf32>
        %shift_left3A_364 = arith.shli %get3A_358, %broadcast_in_dim3A_5 : vector<16xi32>
        %bitcast_convert_type3A_365 = tpu.bitcast %shift_left3A_364 : vector<16xi32> -> vector<16xf32>
        %add3A_366 = arith.addf %add3A_346, %bitcast_convert_type3A_365 : vector<16xf32>
        %bitcast_convert_type3A_367 = tpu.bitcast %get3A_358 : vector<16xi32> -> vector<16xf32>
        %add3A_368 = arith.addf %add3A_348, %bitcast_convert_type3A_367 : vector<16xf32>
        scf.yield %add3A_361, %add3A_363, %add3A_366, %add3A_368 : vector<16xf32>, vector<16xf32>, vector<16xf32>, vector<16xf32>
      }
      %scan3A_19 = arith.constant 20 : i32
      %mul3A_20 = arith.mulf %scan3A_18#0, %broadcast_in_dim3A_3 : vector<16xf32>
      %swap3A = arith.index_cast %scan3A_13 : i32 to index
      %swap3A_21 = arith.constant 0 : index
      %swap3A_22 = tpu.vector_load %arg7[%swap3A, %swap3A_21] {strides = array<i32>} : memref<128x64xf32, #tpu.memory_space<vmem>>, vector<1x16xf32>,
      %swap3A_23 = vector.shape_cast %swap3A_22 : vector<1x16xf32> to vector<16xf32>
      %swap3A_24 = vector.shape_cast %mul3A_20 : vector<16xf32> to vector<1x16xf32>
      tpu.vector_store %arg7[%swap3A, %swap3A_21], %swap3A_24 {strides = array<i32>} : memref<128x64xf32, #tpu.memory_space<vmem>>, vector<1x16xf32>,
      %mul3A_25 = arith.mulf %scan3A_18#1, %broadcast_in_dim3A_3 : vector<16xf32>
      %swap3A_26 = arith.index_cast %scan3A_13 : i32 to index
      %swap3A_27 = arith.constant 16 : index
      %swap3A_28 = tpu.vector_load %arg7[%swap3A_26, %swap3A_27] {strides = array<i32>} : memref<128x64xf32, #tpu.memory_space<vmem>>, vector<1x16xf32>,
      %swap3A_29 = vector.shape_cast %swap3A_28 : vector<1x16xf32> to vector<16xf32>
      %swap3A_30 = vector.shape_cast %mul3A_25 : vector<16xf32> to vector<1x16xf32>
      tpu.vector_store %arg7[%swap3A_26, %swap3A_27], %swap3A_30 {strides = array<i32>} : memref<128x64xf32, #tpu.memory_space<vmem>>, vector<1x16xf32>,
      %mul3A_31 = arith.mulf %scan3A_18#2, %broadcast_in_dim3A_3 : vector<16xf32>
      %swap3A_32 = arith.index_cast %scan3A_13 : i32 to index
      %swap3A_33 = arith.constant 32 : index
      %swap3A_34 = tpu.vector_load %arg7[%swap3A_32, %swap3A_33] {strides = array<i32>} : memref<128x64xf32, #tpu.memory_space<vmem>>, vector<1x16xf32>,
      %swap3A_35 = vector.shape_cast %swap3A_34 : vector<1x16xf32> to vector<16xf32>
      %swap3A_36 = vector.shape_cast %mul3A_31 : vector<16xf32> to vector<1x16xf32>
      tpu.vector_store %arg7[%swap3A_32, %swap3A_33], %swap3A_36 {strides = array<i32>} : memref<128x64xf32, #tpu.memory_space<vmem>>, vector<1x16xf32>,
      %mul3A_37 = arith.mulf %scan3A_18#3, %broadcast_in_dim3A_3 : vector<16xf32>
      %swap3A_38 = arith.index_cast %scan3A_13 : i32 to index
      %swap3A_39 = arith.constant 48 : index
      %swap3A_40 = tpu.vector_load %arg7[%swap3A_38, %swap3A_39] {strides = array<i32>} : memref<128x64xf32, #tpu.memory_space<vmem>>, vector<1x16xf32>,
      %swap3A_41 = vector.shape_cast %swap3A_40 : vector<1x16xf32> to vector<16xf32>
      %swap3A_42 = vector.shape_cast %mul3A_37 : vector<16xf32> to vector<1x16xf32>
      tpu.vector_store %arg7[%swap3A_38, %swap3A_39], %swap3A_42 {strides = array<i32>} : memref<128x64xf32, #tpu.memory_space<vmem>>, vector<1x16xf32>,
    }
    %scan3A_12 = arith.constant 128 : i32
    "tpu.region"() ({
      %run_scoped3A = tpu.sem_alloc : memref<!tpu.dma_semaphore, #tpu.memory_space<semaphore_mem>>
      %dma_start3A = arith.constant 0 : i32
      %dma_start3A_13 = tpu.memref_slice %arg4[%mul3A_2, %dma_start3A] : memref<4096x64xf32, #tpu.memory_space<hbm>> -> memref<128x64xf32, #tpu.memory_space<hbm>>
      %dma_start3A_14 = arith.constant 0 : i32
      %dma_start3A_15 = tpu.memref_slice %arg4[%mul3A_2, %dma_start3A_14] : memref<4096x64xf32, #tpu.memory_space<hbm>> -> memref<128x64xf32, #tpu.memory_space<hbm>>
      tpu.enqueue_dma source(%arg7 : memref<128x64xf32, #tpu.memory_space<vmem>>) target(%dma_start3A_15 : memref<128x64xf32, #tpu.memory_space<hbm>>) target_semaphore(%run_scoped3A : memref<!tpu.dma_semaphore, #tpu.memory_space<semaphore_mem>>)
      %dma_wait3A = arith.constant 0 : i32
      %dma_wait3A_16 = tpu.memref_slice %arg4[%mul3A_2, %dma_wait3A] : memref<4096x64xf32, #tpu.memory_space<hbm>> -> memref<128x64xf32, #tpu.memory_space<hbm>>
      %dma_wait3A_17 = arith.constant 0 : i32
      %dma_wait3A_18 = tpu.memref_slice %arg4[%mul3A_2, %dma_wait3A_17] : memref<4096x64xf32, #tpu.memory_space<hbm>> -> memref<128x64xf32, #tpu.memory_space<hbm>>
      tpu.wait_dma2 semaphore(%run_scoped3A : memref<!tpu.dma_semaphore, #tpu.memory_space<semaphore_mem>>) src(%arg7 : memref<128x64xf32, #tpu.memory_space<vmem>>) dst(%dma_wait3A_18 : memref<128x64xf32, #tpu.memory_space<hbm>>)
      tpu.yield
    }) : () -> ()
    return
  }
}

module attributes {stable_mosaic.version = 14 : i64} {
  func.func @_tc_transpose_body(%arg0: i32, %arg1: memref<64x1024xf32, #tpu.memory_space<vmem>>, %arg2: memref<512x128xf32, #tpu.memory_space<vmem>>) attributes {dimension_semantics = [#tpu.dimension_semantics<arbitrary>], iteration_bounds = array<i64: 977>, scalar_prefetch = 0 : i64, scratch_operands = 0 : i64, tpu.core_type = #tpu.core_type<tc>, window_params = [{transform_indices = @transform_0, window_bounds = array<i64: 64, 1024>}, {transform_indices = @transform_1, window_bounds = array<i64: 512, 128>}]} {
    %get3A = arith.constant 0 : index
    %get3A_0 = arith.constant 0 : index
    %get3A_1 = vector.load %arg1[%get3A, %get3A_0] : memref<64x1024xf32, #tpu.memory_space<vmem>>, vector<64x1024xf32>
    %transpose3A = tpu.transpose %get3A_1, [1, 0] : vector<64x1024xf32> -> vector<1024x64xf32>
    %slice3A = vector.extract_strided_slice %transpose3A {offsets = [0, 0], sizes = [512, 64], strides = [1, 1]} : vector<1024x64xf32> to vector<512x64xf32>
    %slice3A_2 = vector.extract_strided_slice %transpose3A {offsets = [512, 0], sizes = [512, 64], strides = [1, 1]} : vector<1024x64xf32> to vector<512x64xf32>
    %concatenate3A = tpu.concatenate %slice3A, %slice3A_2 in 1 : vector<512x64xf32>, vector<512x64xf32> -> vector<512x128xf32>
    %swap3A = arith.constant 0 : index
    %swap3A_3 = arith.constant 0 : index
    %swap3A_4 = vector.load %arg2[%swap3A, %swap3A_3] : memref<512x128xf32, #tpu.memory_space<vmem>>, vector<512x128xf32>
    tpu.vector_store %arg2[%swap3A, %swap3A_3], %concatenate3A {strides = array<i32>} : memref<512x128xf32, #tpu.memory_space<vmem>>, vector<512x128xf32>,
    return
  }
  func.func @transform_0(%arg0: i32) -> (i32, i32) {
    %c0_i32 = arith.constant 0 : i32
    %c0_i32_0 = arith.constant 0 : i32
    return %c0_i32, %arg0 : i32, i32
  }
  func.func @transform_1(%arg0: i32) -> (i32, i32) {
    %c0_i32 = arith.constant 0 : i32
    %c0_i32_0 = arith.constant 0 : i32
    return %arg0, %c0_i32 : i32, i32
  }
}

</mosaic_0001>

<sc_bundles>
// kernel: kernel.5.cloned.1.call-start
scs
__scs_entry_jumppad:
0x0: {  	(pc) =	sbr.rel $0x88, $3  }
0x1: {  	(tag) =	ssettag $0x0;
	lr =	simm.s32 $0x1  }
0x2: {  	[smem:$0x3F9D] =	sst lr;
	_ =	strace $0xD0000000  }
0x3: {  	_ = 	snop  }
0x4: {  	_ = 	snop  }
0x5: {  	_ = 	snop  }
0x6: {  	_ = 	snop  }
0x7: {  	_ = 	snop  }
__scs_overlays_trampoline_lowered:
0x8: {  	[smem:$0x3FAC] =	sst s0  }
0x9: {  	[smem:$0x3FAD] =	sst s1  }
0xa: {  	[smem:$0x3FAE] =	sst s2  }
0xb: {  	[smem:$0x3FAF] =	sst s3  }
0xc: {  	[smem:$0x3FB0] =	sst s4  }
0xd: {  	[smem:$0x3FB1] =	sst s5  }
0xe: {  	[smem:$0x3FB2] =	sst s6  }
0xf: {  	[smem:$0x3FB3] =	sst s7  }
0x10: {  	[smem:$0x3FB4] =	sst s8  }
0x11: {  	[smem:$0x3FB5] =	sst s9;
	s0 =	simm.s32 @!p0 $0x0  }
0x12: {  	s1 =	sld [smem:$0x3F9B];
	s0 =	simm.s32 @p0 $0x1  }
0x13: {  	[smem:$0x3FB6] =	sst s0;
	s0 =	simm.s32 @!p1 $0x0  }
0x14: {  	s2 =	sld [smem:$0x3F9A];
	s0 =	simm.s32 @p1 $0x1  }
0x15: {  	[smem:$0x3FB7] =	sst s0;
	s0 =	simm.s32 @!p2 $0x0  }
0x16: {  	s3 =	sld [smem:$0x3FDB];
	s0 =	simm.s32 @p2 $0x1  }
0x17: {  	s4 =	simm.s32 $0x1BF5;
	[smem:$0x3FB9] =	sst s0  }
0x18: {  	s0 =	sld [smem:$0x3F9C];
	_ =	swait.ge [sflag:s4], $0x0  }
0x19: {  	s7 =	sld [smem:$0x3F9D]  }
0x1a: {  	s8 =	sadd.s32 $0xFFFFE003, lr  }
0x1b: {  	s9 =	sadd.s32 $0xFFFFFEF7, lr;
	s5 =	simm.s32 $0xFFFFFFFF;
	p2 =	slt.u32 s8, $0xFFFFF086  }
0x1c: {  	p1 =	slt.u32 s9, $0xF7A;
	s5 =	simm.s32 @!p2 $0x0  }
0x1d: {  	s5 =	simm.s32 @p1 $0x1;
	p0 =	seq.s32 s7, s2  }
0x1e: {  	s7 =	smul.u32 @!p0 $0xF7A, s2;
	p2 =	seq.s32 @!p0 s5, $0x0  }
0x1f: {  	s9 =	smul.u32 $0xF7A, s1;
	s8 =	simm.s32 @!p0 $0x1BF5;
	p2 =	por !p2, p0  }
0x20: {  	[sflag:s8] =	ssyncset.s32 @!p0 $0xFFFFF086;
	s6 =	sadd.s32 @!p0 s3, s7;
	s7 =	simm.s32 @!p0 $0x108  }
0x21: {  	s3 =	sadd.s32 s3, s9;
	s6 =	sadd.s32 @!p0 $0x88, s6;
	s7 =	simm.s32 @p2 $0x1082  }
0x22: {  	[simem:s7], [sflag:s8] =	dma.local @!p0 [hbm:s6], $0xF7A  }
0x23: {  	s9 =	sor.u32 $0xD0000000, s2;
	s6 =	simm.s32 $0x108;
	_ =	swait.ge @!p0 [sflag:s8], $0x0  }
0x24: {  	s3 =	sadd.s32 $0x88, s3;
	s6 =	simm.s32 @!p1 $0x1082;
	[sflag:s4] =	ssyncset.s32 $0xFFFFF086  }
0x25: {  	[simem:s6], [sflag:s4] =	dma.local [hbm:s3], $0xF7A  }
0x26: {  	[smem:$0x3F9D] =	sst s1;
	(tag) =	ssettag s2;
	_ =	strace s9  }
0x27: {  	s1 =	sld [smem:$0x3FAD]  }
0x28: {  	s2 =	sld [smem:$0x3FAE]  }
0x29: {  	s4 =	sld [smem:$0x3FB0]  }
0x2a: {  	p0 =	seq.s32 s5, $0x0;
	s5 =	sld [smem:$0x3FB1]  }
0x2b: {  	s6 =	sld [smem:$0x3FB2]  }
0x2c: {  	s7 =	sld [smem:$0x3FB3]  }
0x2d: {  	s3 =	simm.s32 $0x108;
	s8 =	sld [smem:$0x3FB4]  }
0x2e: {  	s3 =	simm.s32 @!p0 $0x1082;
	s9 =	sld [smem:$0x3FB5]  }
0x2f: {  	lr =	sadd.s32 s0, s3;
	s0 =	sld [smem:$0x3FAC]  }
0x30: {  	s3 =	sld [smem:$0x3FAF]  }
0x31: {  	[smem:$0x3FB8] =	sst s10  }
0x32: {  	s10 =	sld [smem:$0x3FB6];
	_ =	sdelay $0x3  }
0x33: {  	p0 =	seq.s32 s10, $0x1;
	s10 =	sld [smem:$0x3FB8];
	_ =	sdelay $0x3  }
0x34: {  	[smem:$0x3FB8] =	sst s10  }
0x35: {  	s10 =	sld [smem:$0x3FB7];
	_ =	sdelay $0x3  }
0x36: {  	p1 =	seq.s32 s10, $0x1;
	s10 =	sld [smem:$0x3FB8];
	_ =	sdelay $0x3  }
0x37: {  	[smem:$0x3FB8] =	sst s10  }
0x38: {  	s10 =	sld [smem:$0x3FB9]  }
0x39: {  	_ = 	snop;
	(pc) =	sbr.ind lr, $3  }
0x3a: {  	_ = 	snop  }
0x3b: {  	_ = 	snop  }
0x3c: {  	p2 =	seq.s32 s10, $0x1;
	s10 =	sld [smem:$0x3FB8]  }
0x3d: {  	_ =	shalt  }
0x3e: {  	_ =	shalt  }
0x3f: {  	_ =	shalt  }
0x40: {  	_ =	shalt  }
0x41: {  	_ =	shalt  }
0x42: {  	_ =	shalt  }
0x43: {  	_ =	shalt  }
0x44: {  	_ =	shalt  }
0x45: {  	_ =	shalt  }
0x46: {  	_ =	shalt  }
0x47: {  	_ =	shalt  }
0x48: {  	_ =	shalt  }
0x49: {  	_ =	shalt  }
0x4a: {  	_ =	shalt  }
0x4b: {  	_ =	shalt  }
0x4c: {  	_ =	shalt  }
0x4d: {  	_ =	shalt  }
0x4e: {  	_ =	shalt  }
0x4f: {  	_ =	shalt  }
0x50: {  	_ =	shalt  }
0x51: {  	_ =	shalt  }
0x52: {  	_ =	shalt  }
0x53: {  	_ =	shalt  }
0x54: {  	_ =	shalt  }
0x55: {  	_ =	shalt  }
0x56: {  	_ =	shalt  }
0x57: {  	_ =	shalt  }
0x58: {  	_ =	shalt  }
0x59: {  	_ =	shalt  }
0x5a: {  	_ =	shalt  }
0x5b: {  	_ =	shalt  }
0x5c: {  	_ =	shalt  }
0x5d: {  	_ =	shalt  }
0x5e: {  	_ =	shalt  }
0x5f: {  	_ =	shalt  }
0x60: {  	_ =	shalt  }
0x61: {  	_ =	shalt  }
0x62: {  	_ =	shalt  }
0x63: {  	_ =	shalt  }
0x64: {  	_ =	shalt  }
0x65: {  	_ =	shalt  }
0x66: {  	_ =	shalt  }
0x67: {  	_ =	shalt  }
0x68: {  	_ =	shalt  }
0x69: {  	_ =	shalt  }
0x6a: {  	_ =	shalt  }
0x6b: {  	_ =	shalt  }
0x6c: {  	_ =	shalt  }
0x6d: {  	_ =	shalt  }
0x6e: {  	_ =	shalt  }
0x6f: {  	_ =	shalt  }
0x70: {  	_ =	shalt  }
0x71: {  	_ =	shalt  }
0x72: {  	_ =	shalt  }
0x73: {  	_ =	shalt  }
0x74: {  	_ =	shalt  }
0x75: {  	_ =	shalt  }
0x76: {  	_ =	shalt  }
0x77: {  	_ =	shalt  }
0x78: {  	_ =	shalt  }
0x79: {  	_ =	shalt  }
0x7a: {  	_ =	shalt  }
0x7b: {  	_ =	shalt  }
0x7c: {  	_ =	shalt  }
0x7d: {  	_ =	shalt  }
0x7e: {  	_ =	shalt  }
0x7f: {  	_ =	shalt  }
0x80: {  	_ =	shalt  }
0x81: {  	_ =	shalt  }
0x82: {  	_ =	shalt  }
0x83: {  	_ =	shalt  }
0x84: {  	_ =	shalt  }
0x85: {  	_ =	shalt  }
0x86: {  	_ =	shalt  }
0x87: {  	_ =	shalt  }
.Lfunc_end0:
.L_simem_size_0:
called_computation_lowered:
.L_overlay_start_0:
0x88: {  	s2 =	sld [smem:$0x3FD9]  }
0x89: {  	s3 =	sld [smem:$0x3FFE];
	_ =	sdelay $0x1  }
0x8a: {  	s1 =	srdreg.scid  }
0x8b: {  	s0 =	sand.u32 $0x1, s1  }
0x8c: {  	s17 =	sshll.u32 s0, $0xA;
	s2 =	sadd.s32 s3, s2  }
0x8d: {  	s2 =	sadd.s32 s2, s17  }
0x8e: {  	[smem:$0x3FC4] =	sst s2  }
0x8f: {  	_ = 	snop  }
0x90: {  	s18 =	sld [smem:$0x3FD0];
	(tm) =	ssettm $0x1  }
0x91: {  	s19 =	sld [smem:$0x3FFB];
	_ =	sdelay $0x3  }
0x92: {  	_ =	strace s19  }
0x93: {  	s2 =	sld [smem:$0x3FFC];
	_ =	sdelay $0x3  }
0x94: {  	_ =	strace s2  }
0x95: {  	s2 =	sld [smem:$0x3FFD];
	_ =	sdelay $0x3  }
0x96: {  	_ =	strace s2  }
0x97: {  	_ =	strace $0x8FFFFFFF  }
0x98: {  	s20 =	sld [smem:$0x3FDB];
	_ =	sdelay $0x1  }
0x99: {  	s4 =	simm.s32 $_scs_section_size  }
0x9a: {  	s5 =	simm.s32 $_size__tile_overlayer_lowered;
	s6 =	simm.s32 $_tile_overlayer_lowered  }
0x9b: {  	s7 =	simm.s32 $0x1BFF;
	s21 =	sshll.u32 s6, $0x1;
	s4 =	sadd.s32 s4, s20  }
0x9c: {  	s22 =	simm.s32 $0x0;
	s5 =	sshll.u32 s5, $0x1;
	s6 =	sadd.s32 s21, s4  }
0x9d: {  	[timem:s22], [sflag:s7] =	dma.local [hbm:s6], s5  }
0x9e: {  	_ =	swait.ge [sflag:s7], s5  }
0x9f: {  	s5 =	ssub.s32 $0x0, s5;
	[sflag:s7] =	ssyncset.done $0x0  }
0xa0: {  	[sflag:s7] =	ssyncadd.s32 s5;
	_ =	sdelay $0x1  }
0xa1: {  	s23 =	simm.s32 $0x1B8B  }
0xa2: {  	_ =	swait.ge [sflag:s23], $0x1  }
0xa3: {  	[sflag:s23] =	ssyncset.done $0x0  }
0xa4: {  	[sflag:s23] =	ssyncadd.s32 $0xFFFFFFFF  }
0xa5: {  	s5 =	sld [smem:$0x0]  }
0xa6: {  	s6 =	sand.u32 $0xFFFFFFFE, s1  }
0xa7: {  	p0 =	sne.s32 s1, s6  }
0xa8: {  	s6 =	sshll.u32 @p0 s6, $0xE  }
0xa9: {  	s6 =	sadd.s32 @p0 $0x11B8D, s6;
	s7 =	sshll.u32 @p0 s5, $0x11  }
0xaa: {  	s6 =	sor.u32 @p0 s7, s6  }
0xab: {  	[sflag:s6] =	ssyncadd.remote.s32 @p0 $0x1;
	_ =	sdelay $0x1  }
0xac: {  	s6 =	simm.s32 @p0 $0x1B8D  }
0xad: {  	_ =	swait.eq @p0 [sflag:s6], $0x1  }
0xae: {  	[sflag:s6] =	ssyncadd.s32 @p0 $0xFFFFFFFF  }
0xaf: {  	s7 =	sshll.u32 @!p0 s1, $0xE  }
0xb0: {  	s7 =	sor.u32 @!p0 $0x4000, s7;
	s6 =	simm.s32 @!p0 $0x1B8D  }
0xb1: {  	s5 =	sshll.u32 @!p0 s5, $0x11;
	s7 =	sadd.s32 @!p0 $0x11B8D, s7;
	_ =	swait.eq @!p0 [sflag:s6], $0x1  }
0xb2: {  	s5 =	sor.u32 @!p0 s5, s7;
	[sflag:s6] =	ssyncadd.s32 @!p0 $0xFFFFFFFF  }
0xb3: {  	s25 =	simm.s32 $0x1B8E;
	s24 =	sld [smem:$0x3FFE];
	[sflag:s5] =	ssyncadd.remote.s32 @!p0 $0x1  }
0xb4: {  	s26 =	simm.s32 $execute0_lowered;
	[smem:$0x3FD2] =	sst s25  }
0xb5: {  	s6 =	sshll.u32 s26, $0x1;
	_ =	strace $0x80000049;
	[dreg:$0x1] =	wrdreg $0xFFFFFFFF  }
0xb6: {  	s28 =	simm.s32 $_size_execute0_lowered;
	s4 =	sadd.s32 s4, s6;
	[dreg:$0x0] =	wrdreg $0x0  }
0xb7: {  	s6 =	sshll.u32 s28, $0x1;
	[dreg:$0x2] =	wrdreg s4  }
0xb8: {  	[dreg:$0x3] =	wrdreg s6  }
0xb9: {  	[dreg:$0x4] =	wrdreg $0xC0  }
0xba: {  	_ =	task [dreg:s22], $0x5FFFF  }
0xbb: {  	[dreg:$0x1] =	wrdreg $0xFFFFFFFF  }
0xbc: {  	[dreg:$0x0] =	wrdreg $0x60  }
0xbd: {  	[dreg:$0x2] =	wrdreg s24  }
0xbe: {  	[dreg:$0x3] =	wrdreg s18  }
0xbf: {  	[dreg:$0x4] =	wrdreg $0x9  }
0xc0: {  	_ =	task.clear_ibuf [dreg:s22], $0x5FFFF;
	_ =	strace $0x90000049  }
0xc1: {  	s29 =	simm.s32 $0x9;
	_ =	strace $0x8000004B  }
0xc2: {  	_ =	swait.ge [sflag:s29], $0x1  }
0xc3: {  	[sflag:s29] =	ssyncadd.s32 $0xFFFFFFFF  }
0xc4: {  	_ =	strace $0x9000004B  }
0xc5: {  	_ =	sfence  }
0xc6: {  	s30 =	sld [smem:$0x0];
	_ =	sdelay $0x2  }
0xc7: {  	s31 =	sshll.u32 s1, $0xD;
	s1 =	sshrl.u32 s1, $0x2  }
0xc8: {  	s4 =	sand.u32 $0x4000, s31;
	s1 =	sadd.s32 s1, s30  }
0xc9: {  	s0 =	sor.u32 s4, s0;
	s1 =	sshll.u32 s1, $0x11  }
0xca: {  	s0 =	sor.u32 s1, s0  }
0xcb: {  	s0 =	sadd.s32 $0x8F2B, s0  }
0xcc: {  	[sflag:s0] =	ssyncadd.remote.s32 $0x1  }
0xcd: {  	_ =	sfence.sel $0xFFFF  }
0xce: {  	[dreg:$0x0] =	wrdreg $0xFFFFFFFF;
	(pc) =	sbr.abs _section_cstart, $3  }
0xcf: {  	[dreg:$0x1] =	wrdreg $0xFFFFFFFF  }
0xd0: {  	_ =	task.clear_ibuf [dreg:s22], $0x2FFFF;
	_ =	strace $0x9FFFFFFF  }
0xd1: {  	(tm) =	ssettm $0x7FFFFFFF  }
tec
execute0_lowered:
.L_overlay_start_1:
0x0: {  	(tag) =	ssettag $0x1  }
0x1: {  	s1 =	srdreg.scid;
	s4 =	rddreg [dreg:$0x0]  }
0x2: {  	s0 =	stileid.u32;
	s5 =	rddreg [dreg:$0x1]  }
0x3: {  	s3 =	sand.u32 $0x1, s1;
	s31 =	sshll.u32 s0, $0x8;
	s1 =	rddreg [dreg:$0x2]  }
0x4: {  	s2 =	sshll.u32 s3, $0x7;
	s8 =	ssub.s32 $0x2, s3;
	s3 =	sadd.s32 $0x7D5000, s4  }
0x5: {  	s6 =	sor.u32 s2, s31;
	s2 =	simm.s32 $0x0;
	s9 =	sshrl.u32 s8, $0x1  }
0x6: {  	s7 =	smul.u32 $0x28, s6;
	[smem:$0x7FF] =	sst s2;
	s8 =	ssub.s32 s8, s9  }
0x7: {  	s6 =	sshll.u32 s6, $0x3;
	s9 =	simm.s32 $0x0;
	_ =	strace $0x8000004A  }
0x8: {  	s5 =	sadd.s32 s5, s6;
	s6 =	smax.u32 s8, $0x1;
	s7 =	sadd.s32 s7, s4  }
0x9: {  	s8 =	simm.s32 $0x11D00;
	s4 =	sadd.s32 $0x7AD000, s7;
	s7 =	simm.s32 $0x1  }
.LBB2_1:
0xa: {  	[tilespmem:s2], [sflag:$0x1] =	stream.linear.gather [hbm4b:s3+s2], $0x7D00, $0x38;
	[tilespmem:$0x13D00] =	vst v63  }
0xb: {  	_ =	swait.ge [sflag:s7], $0x7D00  }
0xc: {  	[sflag:s7] =	ssyncset.done $0x0  }
0xd: {  	s10 =	simm.s32 $0x7D00;
	[sflag:s7] =	ssyncadd.s32 $0xFFFF8300  }
0xe: {  	[tilespmem:s10], [sflag:$0x1] =	stream.linear.gather [hbm4b:s4+s2], $0xA000, $0x38;
	[tilespmem:$0x13D00] =	vst v63  }
0xf: {  	_ =	swait.ge [sflag:s7], $0xA000  }
0x10: {  	[sflag:s7] =	ssyncset.done $0x0  }
0x11: {  	s11 =	simm.s32 $0x0;
	[sflag:s7] =	ssyncadd.s32 $0xFFFF6000  }
.LBB2_2:
0x12: {  	v0 =	vmov s10;
	_ =	sdelay $0x3  }
0x13: {  	s12 =	simm.s32 $0x0  }
0x14: {  	v1 =	vld.idx.msk [tilespmem:v0+s12+$0x0 ss:$0x1], $0xffff;
	_ =	sdelay $0x4  }
0x15: {  	v1 =	vshll.u32 v1, $0x7  }
0x16: {  	v1 =	vshra.s32 v1, $0x2  }
0x17: {  	(v2sf) =	vpush v1, $0x3  }
0x18: {  	(v2sf) =	vpush v1, $0xF  }
0x19: {  	(v2sf) =	vpush v1, $0x2  }
0x1a: {  	(v2sf) =	vpush v1, $0x1  }
0x1b: {  	(v2sf) =	vpush v1, $0x0;
	_ =	sdelay $0x4  }
0x1c: {  	(v2sf) =	vpush v1, $0x5  }
0x1d: {  	(v2sf) =	vpush v1, $0x6  }
0x1e: {  	(v2sf) =	vpush v1, $0x7;
	_ =	sdelay $0x1  }
0x1f: {  	(v2sf) =	vpush v1, $0x4;
	_ =	sdelay $0x1  }
0x20: {  	(v2sf) =	vpush v1, $0x8;
	s29 =	spop (v2sf)  }
0x21: {  	s13 =	spop (v2sf)  }
0x22: {  	s19 =	simm.s32 $0x10;
	s14 =	spop (v2sf)  }
0x23: {  	v11 =	vld.idx.msk [tilespmem:v0+s19+$0x0 ss:$0x1], $0xffff;
	s15 =	spop (v2sf)  }
0x24: {  	(v2sf) =	vpush v1, $0xA;
	v6 =	vld [tilespmem:s29+$0x0];
	s16 =	spop (v2sf)  }
0x25: {  	v4 =	vld [tilespmem:s16+$0x0]  }
0x26: {  	(v2sf) =	vpush v1, $0x9;
	v2 =	vld [tilespmem:s15+$0x0]  }
0x27: {  	(v2sf) =	vpush v1, $0xB;
	v5 =	vld [tilespmem:s16+$0x10]  }
0x28: {  	v3 =	vld [tilespmem:s15+$0x10];
	(v2sf) =	vpush v1, $0xC  }
0x29: {  	v8 =	vld [tilespmem:s14+$0x0];
	s30 =	spop (v2sf);
	(v2sf) =	vpush v1, $0xD  }
0x2a: {  	v9 =	vimm.f32 $0.0e+00;
	v18 =	vld [tilespmem:s29+$0x10];
	s17 =	spop (v2sf);
	(v2sf) =	vpush v1, $0xE;
	v10 =	vshll.u32 v4, $0x10  }
0x2b: {  	v11 =	vshll.u32 v11, $0x7;
	v12 =	vld [tilespmem:s30+$0x0];
	s18 =	spop (v2sf);
	v4 =	vadd.f32 v4, v9;
	v10 =	vadd.f32 v10, v9  }
0x2c: {  	v20 =	vld [tilespmem:s18+$0x10];
	v14 =	vshll.u32 v2, $0x10;
	v13 =	vshll.u32 v5, $0x10;
	v5 =	vadd.f32 v5, v9  }
0x2d: {  	s31 =	spop (v2sf);
	v16 =	vshll.u32 v3, $0x10;
	v2 =	vadd.f32 v2, v4;
	v4 =	vld [tilespmem:s14+$0x10];
	v1 =	vadd.f32 v14, v10  }
0x2e: {  	v7 =	vld [tilespmem:s31+$0x0];
	v13 =	vadd.f32 v13, v9;
	v3 =	vadd.f32 v3, v5;
	v14 =	vshll.u32 v8, $0x10  }
0x2f: {  	v15 =	vld [tilespmem:s31+$0x10];
	s19 =	spop (v2sf);
	v2 =	vadd.f32 v8, v2;
	v14 =	vadd.f32 v14, v1;
	v1 =	vshra.s32 v11, $0x2  }
0x30: {  	v21 =	vld [tilespmem:s19+$0x10];
	v13 =	vadd.f32 v16, v13;
	(v2sf) =	vpush v1, $0x3  }
0x31: {  	v17 =	vshll.u32 v6, $0x10;
	v22 =	vld [tilespmem:s19+$0x0];
	v2 =	vadd.f32 v6, v2;
	(v2sf) =	vpush v1, $0xF  }
0x32: {  	v10 =	vld [tilespmem:s17+$0x0];
	v19 =	vshll.u32 v4, $0x10;
	v14 =	vadd.f32 v17, v14;
	v3 =	vadd.f32 v4, v3  }
0x33: {  	s20 =	spop (v2sf);
	v8 =	vld [tilespmem:s30+$0x10];
	(v2sf) =	vpush v1, $0x2;
	v13 =	vadd.f32 v19, v13  }
0x34: {  	v25 =	vld [tilespmem:s20+$0x10];
	v11 =	vshll.u32 v7, $0x10;
	v2 =	vadd.f32 v7, v2;
	(v2sf) =	vpush v1, $0x1  }
0x35: {  	v9 =	vshll.u32 v18, $0x10;
	v26 =	vld [tilespmem:s20+$0x0];
	v4 =	vadd.f32 v11, v14;
	v18 =	vadd.f32 v18, v3  }
0x36: {  	v6 =	vld [tilespmem:s18+$0x0];
	(v2sf) =	vpush v1, $0x0;
	v2 =	vadd.f32 v12, v2  }
0x37: {  	s21 =	spop (v2sf);
	v16 =	vld [tilespmem:s17+$0x10];
	v19 =	vshll.u32 v15, $0x10;
	v9 =	vadd.f32 v9, v13;
	(v2sf) =	vpush v1, $0x5  }
0x38: {  	v23 =	vld [tilespmem:s21+$0x10];
	v7 =	vshll.u32 v8, $0x10;
	(v2sf) =	vpush v1, $0x6;
	v2 =	vadd.f32 v10, v2  }
0x39: {  	v24 =	vld [tilespmem:s21+$0x0];
	s22 =	spop (v2sf);
	v13 =	vshll.u32 v12, $0x10;
	v9 =	vadd.f32 v19, v9;
	(v2sf) =	vpush v1, $0x7  }
0x3a: {  	v27 =	vld [tilespmem:s22+$0x0];
	s23 =	spop (v2sf);
	v12 =	vshll.u32 v10, $0x10;
	v4 =	vadd.f32 v13, v4;
	(v2sf) =	vpush v1, $0x4  }
0x3b: {  	v28 =	vld [tilespmem:s22+$0x10];
	s24 =	spop (v2sf);
	v10 =	vshll.u32 v6, $0x10;
	v6 =	vadd.f32 v6, v2;
	v7 =	vadd.f32 v7, v9  }
0x3c: {  	v5 =	vshll.u32 v16, $0x10;
	v3 =	vld [tilespmem:s24+$0x10];
	v15 =	vadd.f32 v15, v18;
	v4 =	vadd.f32 v12, v4  }
0x3d: {  	v17 =	vshll.u32 v20, $0x10;
	v18 =	vld [tilespmem:s24+$0x0];
	v6 =	vadd.f32 v22, v6;
	v5 =	vadd.f32 v5, v7  }
0x3e: {  	v11 =	vshll.u32 v21, $0x10;
	v19 =	vld [tilespmem:s23+$0x0];
	v7 =	vadd.f32 v8, v15;
	v8 =	vadd.f32 v10, v4  }
0x3f: {  	v14 =	vshll.u32 v22, $0x10;
	v13 =	vshll.u32 v23, $0x10;
	s25 =	spop (v2sf);
	v2 =	vld [tilespmem:s23+$0x10];
	v6 =	vadd.f32 v24, v6  }
0x40: {  	v12 =	vshll.u32 v25, $0x10;
	v4 =	vld [tilespmem:s25+$0x10];
	v5 =	vadd.f32 v17, v5;
	v8 =	vadd.f32 v14, v8  }
0x41: {  	v9 =	vshll.u32 v24, $0x10;
	v17 =	vld [tilespmem:s25+$0x0];
	v16 =	vadd.f32 v16, v7;
	v6 =	vadd.f32 v26, v6  }
0x42: {  	v22 =	vshll.u32 v26, $0x10;
	v7 =	vld [tilespmem:s13+$0x10];
	v11 =	vadd.f32 v11, v5;
	v8 =	vadd.f32 v9, v8;
	s26 =	spop (v2sf)  }
0x43: {  	v10 =	vshll.u32 v28, $0x10;
	v26 =	vld [tilespmem:s13+$0x0];
	v20 =	vadd.f32 v20, v16;
	s12 =	spop (v2sf);
	v6 =	vadd.f32 v27, v6  }
0x44: {  	v24 =	vshll.u32 v27, $0x10;
	v9 =	vadd.f32 v13, v11;
	v8 =	vadd.f32 v22, v8;
	v13 =	vld [tilespmem:s26+$0x0];
	s14 =	spop (v2sf)  }
0x45: {  	v27 =	vshll.u32 v19, $0x10;
	v11 =	vadd.f32 v21, v20;
	s28 =	spop (v2sf);
	v6 =	vadd.f32 v19, v6;
	v19 =	vld [tilespmem:s14+$0x0]  }
0x46: {  	v29 =	vshll.u32 v3, $0x10;
	(v2sf) =	vpush v1, $0x8;
	v9 =	vadd.f32 v12, v9;
	v15 =	vld [tilespmem:s28+$0x0];
	s29 =	spop (v2sf)  }
0x47: {  	v30 =	vshll.u32 v18, $0x10;
	v8 =	vadd.f32 v24, v8;
	v23 =	vadd.f32 v23, v11;
	v5 =	vld [tilespmem:s28+$0x10];
	s30 =	spop (v2sf)  }
0x48: {  	v14 =	vshll.u32 v2, $0x10;
	(v2sf) =	vpush v1, $0xA;
	v31 =	vld [tilespmem:s29+$0x0];
	v6 =	vadd.f32 v18, v6;
	s16 =	spop (v2sf)  }
0x49: {  	v32 =	vshll.u32 v4, $0x10;
	v16 =	vld [tilespmem:s29+$0x10];
	v9 =	vadd.f32 v10, v9;
	v8 =	vadd.f32 v27, v8;
	s15 =	spop (v2sf)  }
0x4a: {  	v33 =	vshll.u32 v17, $0x10;
	(v2sf) =	vpush v1, $0x9;
	v11 =	vld [tilespmem:s30+$0x0];
	v10 =	vadd.f32 v17, v6;
	s31 =	spop (v2sf)  }
0x4b: {  	v14 =	vadd.f32 v14, v9;
	v17 =	vshll.u32 v13, $0x10;
	v8 =	vadd.f32 v30, v8;
	v12 =	vld [tilespmem:s31+$0x0]  }
0x4c: {  	v9 =	vld [tilespmem:s16+$0x0];
	v20 =	vshll.u32 v15, $0x10;
	v21 =	vshll.u32 v5, $0x10;
	v10 =	vadd.f32 v26, v10  }
0x4d: {  	v6 =	vld [tilespmem:s31+$0x10];
	v27 =	vadd.f32 v29, v14;
	v29 =	vshll.u32 v26, $0x10;
	v26 =	vadd.f32 v25, v23  }
0x4e: {  	v14 =	vld [tilespmem:s26+$0x10];
	v30 =	vadd.f32 v33, v8;
	v22 =	vshll.u32 v31, $0x10;
	v23 =	vadd.f32 v31, v10  }
0x4f: {  	v8 =	vld [tilespmem:s30+$0x10];
	v24 =	vshll.u32 v16, $0x10;
	v25 =	vadd.f32 v32, v27;
	v27 =	vadd.f32 v28, v26  }
0x50: {  	s13 =	simm.s32 $0x80;
	v10 =	vld [tilespmem:s15+$0x0];
	v26 =	vadd.f32 v29, v30;
	v28 =	vshll.u32 v7, $0x10;
	v18 =	vshll.u32 v12, $0x10  }
.LBB2_3:
0x51: {  	s17 =	sshra.s32 s13, $0x2;
	p0 =	sne.s32 s13, $0x4C0;
	s13 =	sadd.s32 $0x40, s13;
	v29 =	vld [tilespmem:s16+$0x10];
	(v2sf) =	vpush v1, $0xB;
	v25 =	vadd.f32 v28, v25  }
0x52: {  	v28 =	vld.idx.msk [tilespmem:v0+s17+$0x0 ss:$0x1], $0xffff;
	v22 =	vadd.f32 v22, v26;
	v2 =	vadd.f32 v2, v27  }
0x53: {  	v24 =	vadd.f32 v24, v25;
	v25 =	vshll.u32 v14, $0x10;
	(v2sf) =	vpush v1, $0xC  }
0x54: {  	(v2sf) =	vpush v1, $0xD;
	v2 =	vadd.f32 v3, v2  }
0x55: {  	v3 =	vadd.f32 v15, v23;
	v23 =	vshll.u32 v6, $0x10;
	v15 =	vld [tilespmem:s14+$0x10];
	s14 =	spop (v2sf);
	(v2sf) =	vpush v1, $0xE  }
0x56: {  	v1 =	vadd.f32 v20, v22;
	v20 =	vadd.f32 v21, v24;
	v21 =	vshll.u32 v19, $0x10  }
0x57: {  	v22 =	vshll.u32 v8, $0x10;
	v24 =	vshll.u32 v29, $0x10;
	v2 =	vadd.f32 v4, v2;
	v26 =	vld [tilespmem:s15+$0x10]  }
0x58: {  	v3 =	vadd.f32 v19, v3;
	v4 =	vshll.u32 v28, $0x7;
	v21 =	vadd.f32 v21, v1  }
0x59: {  	v1 =	vshra.s32 v4, $0x2;
	v4 =	vshll.u32 v11, $0x10;
	v2 =	vadd.f32 v7, v2  }
0x5a: {  	v3 =	vadd.f32 v13, v3;
	(v2sf) =	vpush v1, $0x3;
	v7 =	vshll.u32 v15, $0x10;
	s15 =	spop (v2sf)  }
0x5b: {  	v13 =	vshll.u32 v9, $0x10;
	v2 =	vadd.f32 v16, v2;
	(v2sf) =	vpush v1, $0xF;
	s16 =	spop (v2sf)  }
0x5c: {  	v7 =	vadd.f32 v7, v20;
	(v2sf) =	vpush v1, $0x2;
	v16 =	vshll.u32 v26, $0x10;
	v19 =	vld [tilespmem:s14+$0x10]  }
0x5d: {  	v3 =	vadd.f32 v12, v3;
	v12 =	vshll.u32 v10, $0x10;
	(v2sf) =	vpush v1, $0x1;
	v20 =	vld [tilespmem:s14+$0x0]  }
0x5e: {  	v2 =	vadd.f32 v5, v2;
	(v2sf) =	vpush v1, $0x0;
	v27 =	vld [tilespmem:s16+$0x10]  }
0x5f: {  	v5 =	vadd.f32 v25, v7;
	(v2sf) =	vpush v1, $0x5;
	v7 =	vld [tilespmem:s16+$0x0]  }
0x60: {  	v3 =	vadd.f32 v11, v3;
	(v2sf) =	vpush v1, $0x6;
	v25 =	vld [tilespmem:s15+$0x10];
	s14 =	spop (v2sf)  }
0x61: {  	v11 =	vadd.f32 v17, v21;
	(v2sf) =	vpush v1, $0x7;
	v17 =	vshll.u32 v19, $0x10;
	v21 =	vld [tilespmem:s15+$0x0]  }
0x62: {  	v3 =	vadd.f32 v9, v3;
	(v2sf) =	vpush v1, $0x4;
	v9 =	vshll.u32 v20, $0x10;
	v28 =	vld [tilespmem:s14+$0x0];
	s15 =	spop (v2sf)  }
0x63: {  	v2 =	vadd.f32 v15, v2;
	v11 =	vadd.f32 v18, v11;
	v18 =	vshll.u32 v27, $0x10;
	v30 =	vld [tilespmem:s14+$0x10];
	s14 =	spop (v2sf)  }
0x64: {  	v5 =	vadd.f32 v23, v5;
	v3 =	vadd.f32 v10, v3;
	v10 =	vshll.u32 v7, $0x10;
	v23 =	vld [tilespmem:s15+$0x0];
	s16 =	spop (v2sf)  }
0x65: {  	v14 =	vadd.f32 v14, v2;
	v4 =	vadd.f32 v4, v11;
	v2 =	vld [tilespmem:s15+$0x10]  }
0x66: {  	v5 =	vadd.f32 v22, v5;
	v11 =	vadd.f32 v20, v3;
	v20 =	vshll.u32 v25, $0x10;
	v3 =	vld [tilespmem:s14+$0x10]  }
0x67: {  	v6 =	vadd.f32 v6, v14;
	v4 =	vadd.f32 v13, v4;
	v13 =	vshll.u32 v21, $0x10;
	v14 =	vld [tilespmem:s14+$0x0]  }
0x68: {  	v5 =	vadd.f32 v24, v5;
	v7 =	vadd.f32 v7, v11;
	v11 =	vshll.u32 v30, $0x10  }
0x69: {  	v6 =	vadd.f32 v8, v6;
	v8 =	vadd.f32 v12, v4;
	v12 =	vshll.u32 v28, $0x10;
	s17 =	spop (v2sf);
	v4 =	vld [tilespmem:s16+$0x10]  }
0x6a: {  	v5 =	vadd.f32 v16, v5;
	v15 =	vadd.f32 v21, v7;
	s15 =	spop (v2sf);
	v24 =	vshll.u32 v2, $0x10;
	v21 =	vld [tilespmem:s16+$0x0]  }
0x6b: {  	v6 =	vadd.f32 v29, v6;
	v8 =	vadd.f32 v9, v8;
	v9 =	vshll.u32 v23, $0x10;
	s14 =	spop (v2sf);
	v7 =	vld [tilespmem:s12+$0x10]  }
0x6c: {  	v16 =	vadd.f32 v17, v5;
	v17 =	vadd.f32 v28, v15;
	v28 =	vshll.u32 v3, $0x10;
	s16 =	spop (v2sf);
	v29 =	vld [tilespmem:s12+$0x0];
	s12 =	smov.u32 s15  }
0x6d: {  	v6 =	vadd.f32 v26, v6;
	v8 =	vadd.f32 v10, v8;
	v10 =	vshll.u32 v14, $0x10;
	v15 =	vld [tilespmem:s16+$0x0];
	s18 =	spop (v2sf)  }
0x6e: {  	v16 =	vadd.f32 v18, v16;
	v17 =	vadd.f32 v23, v17;
	v5 =	vld [tilespmem:s16+$0x10];
	s19 =	spop (v2sf);
	v26 =	vshll.u32 v4, $0x10  }
0x6f: {  	v8 =	vadd.f32 v13, v8;
	v23 =	vld [tilespmem:s18+$0x0];
	s16 =	spop (v2sf);
	(v2sf) =	vpush v1, $0x8;
	v31 =	vshll.u32 v21, $0x10  }
0x70: {  	v18 =	vadd.f32 v20, v16;
	v14 =	vadd.f32 v14, v17;
	v13 =	vld [tilespmem:s17+$0x0];
	s15 =	spop (v2sf)  }
0x71: {  	v6 =	vadd.f32 v19, v6;
	v8 =	vadd.f32 v12, v8;
	v16 =	vld [tilespmem:s18+$0x10];
	s18 =	spop (v2sf)  }
0x72: {  	v17 =	vadd.f32 v11, v18;
	v14 =	vadd.f32 v21, v14;
	v20 =	vshll.u32 v15, $0x10;
	v12 =	vld [tilespmem:s18+$0x0]  }
0x73: {  	v27 =	vadd.f32 v27, v6;
	v8 =	vadd.f32 v9, v8;
	v21 =	vshll.u32 v5, $0x10;
	v19 =	vld [tilespmem:s14+$0x0]  }
0x74: {  	v18 =	vadd.f32 v24, v17;
	v22 =	vshll.u32 v23, $0x10;
	v11 =	vld [tilespmem:s19+$0x0];
	(v2sf) =	vpush v1, $0xA  }
.Ltmp0:
0x75: {  	v8 =	vadd.f32 v10, v8;
	v17 =	vshll.u32 v13, $0x10;
	v6 =	vld [tilespmem:s18+$0x10];
	(v2sf) =	vpush v1, $0x9;
	(pc) =	sbr.rel @p0 .LBB2_3-.Ltmp0, $4  }
0x76: {  	v28 =	vadd.f32 v28, v18;
	v32 =	vshll.u32 v29, $0x10;
	v10 =	vadd.f32 v29, v14;
	v9 =	vld [tilespmem:s16+$0x0]  }
0x77: {  	v27 =	vadd.f32 v25, v27;
	v29 =	vadd.f32 v31, v8;
	v14 =	vld [tilespmem:s17+$0x10];
	v18 =	vshll.u32 v12, $0x10  }
0x78: {  	v25 =	vadd.f32 v26, v28;
	v23 =	vadd.f32 v23, v10;
	v24 =	vshll.u32 v16, $0x10;
	v10 =	vld [tilespmem:s15+$0x0]  }
0x79: {  	v27 =	vadd.f32 v30, v27;
	v28 =	vshll.u32 v7, $0x10;
	v26 =	vadd.f32 v32, v29;
	v8 =	vld [tilespmem:s19+$0x10]  }
0x7a: {  	_ = 	snop  }
0x7b: {  	v0 =	vadd.f32 v2, v27;
	_ =	sdelay $0x1  }
0x7c: {  	v0 =	vadd.f32 v3, v0  }
0x7d: {  	(v2sf) =	vpush v1, $0xB;
	v60 =	vadd.f32 v28, v25  }
0x7e: {  	v63 =	vadd.f32 v15, v23;
	v0 =	vadd.f32 v4, v0  }
0x7f: {  	v62 =	vld [tilespmem:s14+$0x10];
	v61 =	vadd.f32 v22, v26;
	(v2sf) =	vpush v1, $0xC  }
0x80: {  	v2 =	vadd.f32 v24, v60;
	v0 =	vadd.f32 v7, v0  }
0x81: {  	v15 =	vshll.u32 v19, $0x10;
	(v2sf) =	vpush v1, $0xD;
	v19 =	vadd.f32 v19, v63  }
0x82: {  	v3 =	vadd.f32 v20, v61;
	v0 =	vadd.f32 v16, v0  }
0x83: {  	(v2sf) =	vpush v1, $0xE;
	v2 =	vadd.f32 v21, v2  }
0x84: {  	v1 =	vadd.f32 v15, v3;
	v20 =	vshll.u32 v62, $0x10;
	v0 =	vadd.f32 v5, v0  }
0x85: {  	v3 =	vadd.f32 v13, v19;
	v2 =	vadd.f32 v20, v2  }
0x86: {  	v22 =	vshll.u32 v14, $0x10;
	v1 =	vadd.f32 v17, v1;
	v0 =	vadd.f32 v62, v0  }
0x87: {  	v21 =	vld [tilespmem:s16+$0x10];
	v3 =	vadd.f32 v12, v3;
	v2 =	vadd.f32 v22, v2  }
0x88: {  	v23 =	vshll.u32 v6, $0x10;
	v1 =	vadd.f32 v18, v1;
	v0 =	vadd.f32 v14, v0  }
0x89: {  	v25 =	vshll.u32 v11, $0x10;
	v24 =	vld [tilespmem:s15+$0x10];
	s13 =	spop (v2sf);
	v3 =	vadd.f32 v11, v3;
	v2 =	vadd.f32 v23, v2  }
0x8a: {  	v26 =	vshll.u32 v8, $0x10;
	v27 =	vld [tilespmem:s13+$0x0];
	s24 =	spop (v2sf);
	v1 =	vadd.f32 v25, v1;
	v0 =	vadd.f32 v6, v0  }
0x8b: {  	v28 =	vshll.u32 v9, $0x10;
	v29 =	vld [tilespmem:s13+$0x10];
	s25 =	spop (v2sf);
	v3 =	vadd.f32 v9, v3;
	v2 =	vadd.f32 v26, v2  }
0x8c: {  	v30 =	vshll.u32 v21, $0x10;
	v31 =	vld [tilespmem:s25+$0x0];
	v1 =	vadd.f32 v28, v1;
	v0 =	vadd.f32 v8, v0  }
0x8d: {  	v32 =	vshll.u32 v10, $0x10;
	v33 =	vld [tilespmem:s25+$0x10];
	v3 =	vadd.f32 v10, v3;
	v2 =	vadd.f32 v30, v2  }
0x8e: {  	v34 =	vshll.u32 v24, $0x10;
	v35 =	vld [tilespmem:s24+$0x0];
	v1 =	vadd.f32 v32, v1;
	v0 =	vadd.f32 v21, v0  }
0x8f: {  	v36 =	vld [tilespmem:s24+$0x10];
	v37 =	vshll.u32 v27, $0x10;
	s26 =	spop (v2sf);
	v3 =	vadd.f32 v27, v3;
	v2 =	vadd.f32 v34, v2  }
0x90: {  	v38 =	vshll.u32 v29, $0x10;
	v39 =	vld [tilespmem:s26+$0x0];
	v1 =	vadd.f32 v37, v1;
	v0 =	vadd.f32 v24, v0  }
0x91: {  	s28 =	spop (v2sf);
	v40 =	vld [tilespmem:s26+$0x10];
	v41 =	vshll.u32 v31, $0x10;
	v3 =	vadd.f32 v31, v3;
	v2 =	vadd.f32 v38, v2  }
0x92: {  	v42 =	vshll.u32 v33, $0x10;
	v43 =	vld [tilespmem:s28+$0x0];
	v1 =	vadd.f32 v41, v1;
	v0 =	vadd.f32 v29, v0  }
0x93: {  	v45 =	vshll.u32 v35, $0x10;
	s29 =	spop (v2sf);
	v44 =	vld [tilespmem:s28+$0x10];
	v3 =	vadd.f32 v35, v3;
	v2 =	vadd.f32 v42, v2  }
0x94: {  	v46 =	vshll.u32 v36, $0x10;
	v47 =	vld [tilespmem:s29+$0x0];
	v1 =	vadd.f32 v45, v1;
	v0 =	vadd.f32 v33, v0  }
0x95: {  	s30 =	spop (v2sf);
	v48 =	vld [tilespmem:s29+$0x10];
	v49 =	vshll.u32 v39, $0x10;
	v3 =	vadd.f32 v39, v3;
	v2 =	vadd.f32 v46, v2  }
0x96: {  	v51 =	vld [tilespmem:s30+$0x0];
	v50 =	vshll.u32 v40, $0x10;
	v1 =	vadd.f32 v49, v1;
	v0 =	vadd.f32 v36, v0  }
0x97: {  	v52 =	vld [tilespmem:s30+$0x10];
	v53 =	vshll.u32 v43, $0x10;
	v3 =	vadd.f32 v43, v3;
	v2 =	vadd.f32 v50, v2  }
0x98: {  	v55 =	vld [tilespmem:s12+$0x0];
	v54 =	vshll.u32 v44, $0x10;
	v1 =	vadd.f32 v53, v1;
	v0 =	vadd.f32 v40, v0  }
0x99: {  	v57 =	vld [tilespmem:s12+$0x10];
	v56 =	vshll.u32 v47, $0x10;
	v3 =	vadd.f32 v47, v3;
	v2 =	vadd.f32 v54, v2  }
0x9a: {  	v58 =	vshll.u32 v48, $0x10;
	v1 =	vadd.f32 v56, v1;
	v0 =	vadd.f32 v44, v0  }
0x9b: {  	v59 =	vshll.u32 v51, $0x10;
	v3 =	vadd.f32 v51, v3;
	v2 =	vadd.f32 v58, v2  }
0x9c: {  	v60 =	vshll.u32 v52, $0x10;
	v1 =	vadd.f32 v59, v1;
	v0 =	vadd.f32 v48, v0  }
0x9d: {  	v61 =	vshll.u32 v55, $0x10;
	v3 =	vadd.f32 v55, v3;
	v2 =	vadd.f32 v60, v2  }
0x9e: {  	s31 =	sshll.u32 s11, $0x6;
	s11 =	sadd.s32 $0x1, s11;
	v62 =	vshll.u32 v57, $0x10;
	v1 =	vadd.f32 v61, v1;
	v0 =	vadd.f32 v52, v0  }
0x9f: {  	p0 =	sne.s32 s11, $0x80;
	v3 =	vmul.f32 $3.125000050e-03, v3;
	v2 =	vadd.f32 v62, v2  }
.Ltmp1:
0xa0: {  	s12 =	sand.u32 $0x3FFFFFC0, s31;
	v1 =	vmul.f32 $3.125000050e-03, v1;
	v0 =	vadd.f32 v57, v0;
	(pc) =	sbr.rel @p0 .LBB2_2-.Ltmp1, $4  }
0xa1: {  	[tilespmem:s12+$0x11D10] =	vst v3;
	v63 =	vmul.f32 $3.125000050e-03, v2  }
0xa2: {  	[tilespmem:s12+$0x11D00] =	vst v1;
	v0 =	vmul.f32 $3.125000050e-03, v0  }
0xa3: {  	[tilespmem:s12+$0x11D20] =	vst v63  }
0xa4: {  	s10 =	sadd.s32 $0x140, s10;
	[tilespmem:s12+$0x11D30] =	vst v0  }
0xa5: {  	s9 =	sadd.s32 $0x1, s9  }
0xa6: {  	p0 =	sne.s32 s9, s6  }
.Ltmp2:
0xa7: {  	_ = 	snop;
	(pc) =	sbr.rel @p0 .LBB2_1-.Ltmp2, $4  }
0xa8: {  	[hbm4b:s5+s2] =	stream.linear.scatter [tilespmem:s8], [sflag:$0x1], $0x2000, $0x38;
	[tilespmem:$0x13D00] =	vst v63  }
0xa9: {  	_ =	swait.ge [sflag:s7], $0x2000  }
0xaa: {  	[sflag:s7] =	ssyncset.done $0x0  }
0xab: {  	[sflag:s7] =	ssyncadd.s32 $0xFFFFE000  }
0xac: {  	_ =	sfence.sel $0x180000  }
0xad: {  	[bflag:$0x0] =	sbarrier.arrive $0xFFFF  }
0xae: {  	p0 =	sne.s32 s0, $0x0;
	_ =	strace $0x9000004A  }
0xaf: {  	s0 =	sadd.s32 @!p0 $0x100000, s1;
	[bflag:$0x2] =	sbarrier.arrive $0xFFFF  }
0xb0: {  	[sflag:s0] =	ssyncadd.tile.s32 @!p0 $0x1;
	_ =	shalt  }
.Lfunc_end2:
_tile_overlayer_lowered:
.L_overlay_start_2:
0xb1: {  	(tag) =	ssettag $0x2  }
0xb2: {  	s0 =	rddreg [dreg:$0x0];
	s2 =	stileid.u32  }
0xb3: {  	s1 =	rddreg [dreg:$0x1];
	p0 =	sne.s32 s2, $0x0  }
0xb4: {  	s3 =	rddreg [dreg:$0x2];
	[bflag:$0x3] =	sbarrier.arrive $0xFFFF;
	s2 =	simm.s32 @!p0 $0x1C01  }
0xb5: {  	[timem:s3], [sflag:s2] =	dma.local @!p0 [hbm:s0], s1  }
0xb6: {  	s0 =	simm.s32 @!p0 $0x1  }
0xb7: {  	_ =	swait.ge @!p0 [sflag:s0], s1  }
0xb8: {  	s1 =	ssub.s32 @!p0 $0x0, s1;
	[sflag:s0] =	ssyncset.done @!p0 $0x0  }
0xb9: {  	[sflag:s0] =	ssyncadd.s32 @!p0 s1  }
0xba: {  	[bflag:$0x3] =	sbarrier.arrive $0xFFFF  }
0xbb: {  	_ =	shalt  }

// kernel: kernel.8.cloned.1.call-start
scs
__scs_entry_jumppad:
0x0: {  	(pc) =	sbr.rel $0x88, $3  }
0x1: {  	(tag) =	ssettag $0x0;
	lr =	simm.s32 $0x1  }
0x2: {  	[smem:$0x3F9D] =	sst lr;
	_ =	strace $0xD0000000  }
0x3: {  	_ = 	snop  }
0x4: {  	_ = 	snop  }
0x5: {  	_ = 	snop  }
0x6: {  	_ = 	snop  }
0x7: {  	_ = 	snop  }
__scs_overlays_trampoline_lowered:
0x8: {  	[smem:$0x3FAC] =	sst s0  }
0x9: {  	[smem:$0x3FAD] =	sst s1  }
0xa: {  	[smem:$0x3FAE] =	sst s2  }
0xb: {  	[smem:$0x3FAF] =	sst s3  }
0xc: {  	[smem:$0x3FB0] =	sst s4  }
0xd: {  	[smem:$0x3FB1] =	sst s5  }
0xe: {  	[smem:$0x3FB2] =	sst s6  }
0xf: {  	[smem:$0x3FB3] =	sst s7  }
0x10: {  	[smem:$0x3FB4] =	sst s8  }
0x11: {  	[smem:$0x3FB5] =	sst s9;
	s0 =	simm.s32 @!p0 $0x0  }
0x12: {  	s1 =	sld [smem:$0x3F9B];
	s0 =	simm.s32 @p0 $0x1  }
0x13: {  	[smem:$0x3FB6] =	sst s0;
	s0 =	simm.s32 @!p1 $0x0  }
0x14: {  	s2 =	sld [smem:$0x3F9A];
	s0 =	simm.s32 @p1 $0x1  }
0x15: {  	[smem:$0x3FB7] =	sst s0;
	s0 =	simm.s32 @!p2 $0x0  }
0x16: {  	s3 =	sld [smem:$0x3FDB];
	s0 =	simm.s32 @p2 $0x1  }
0x17: {  	s4 =	simm.s32 $0x1BF5;
	[smem:$0x3FB9] =	sst s0  }
0x18: {  	s0 =	sld [smem:$0x3F9C];
	_ =	swait.ge [sflag:s4], $0x0  }
0x19: {  	s7 =	sld [smem:$0x3F9D]  }
0x1a: {  	s8 =	sadd.s32 $0xFFFFE003, lr  }
0x1b: {  	s9 =	sadd.s32 $0xFFFFFEF7, lr;
	s5 =	simm.s32 $0xFFFFFFFF;
	p2 =	slt.u32 s8, $0xFFFFF086  }
0x1c: {  	p1 =	slt.u32 s9, $0xF7A;
	s5 =	simm.s32 @!p2 $0x0  }
0x1d: {  	s5 =	simm.s32 @p1 $0x1;
	p0 =	seq.s32 s7, s2  }
0x1e: {  	s7 =	smul.u32 @!p0 $0xF7A, s2;
	p2 =	seq.s32 @!p0 s5, $0x0  }
0x1f: {  	s9 =	smul.u32 $0xF7A, s1;
	s8 =	simm.s32 @!p0 $0x1BF5;
	p2 =	por !p2, p0  }
0x20: {  	[sflag:s8] =	ssyncset.s32 @!p0 $0xFFFFF086;
	s6 =	sadd.s32 @!p0 s3, s7;
	s7 =	simm.s32 @!p0 $0x108  }
0x21: {  	s3 =	sadd.s32 s3, s9;
	s6 =	sadd.s32 @!p0 $0x88, s6;
	s7 =	simm.s32 @p2 $0x1082  }
0x22: {  	[simem:s7], [sflag:s8] =	dma.local @!p0 [hbm:s6], $0xF7A  }
0x23: {  	s9 =	sor.u32 $0xD0000000, s2;
	s6 =	simm.s32 $0x108;
	_ =	swait.ge @!p0 [sflag:s8], $0x0  }
0x24: {  	s3 =	sadd.s32 $0x88, s3;
	s6 =	simm.s32 @!p1 $0x1082;
	[sflag:s4] =	ssyncset.s32 $0xFFFFF086  }
0x25: {  	[simem:s6], [sflag:s4] =	dma.local [hbm:s3], $0xF7A  }
0x26: {  	[smem:$0x3F9D] =	sst s1;
	(tag) =	ssettag s2;
	_ =	strace s9  }
0x27: {  	s1 =	sld [smem:$0x3FAD]  }
0x28: {  	s2 =	sld [smem:$0x3FAE]  }
0x29: {  	s4 =	sld [smem:$0x3FB0]  }
0x2a: {  	p0 =	seq.s32 s5, $0x0;
	s5 =	sld [smem:$0x3FB1]  }
0x2b: {  	s6 =	sld [smem:$0x3FB2]  }
0x2c: {  	s7 =	sld [smem:$0x3FB3]  }
0x2d: {  	s3 =	simm.s32 $0x108;
	s8 =	sld [smem:$0x3FB4]  }
0x2e: {  	s3 =	simm.s32 @!p0 $0x1082;
	s9 =	sld [smem:$0x3FB5]  }
0x2f: {  	lr =	sadd.s32 s0, s3;
	s0 =	sld [smem:$0x3FAC]  }
0x30: {  	s3 =	sld [smem:$0x3FAF]  }
0x31: {  	[smem:$0x3FB8] =	sst s10  }
0x32: {  	s10 =	sld [smem:$0x3FB6];
	_ =	sdelay $0x3  }
0x33: {  	p0 =	seq.s32 s10, $0x1;
	s10 =	sld [smem:$0x3FB8];
	_ =	sdelay $0x3  }
0x34: {  	[smem:$0x3FB8] =	sst s10  }
0x35: {  	s10 =	sld [smem:$0x3FB7];
	_ =	sdelay $0x3  }
0x36: {  	p1 =	seq.s32 s10, $0x1;
	s10 =	sld [smem:$0x3FB8];
	_ =	sdelay $0x3  }
0x37: {  	[smem:$0x3FB8] =	sst s10  }
0x38: {  	s10 =	sld [smem:$0x3FB9]  }
0x39: {  	_ = 	snop;
	(pc) =	sbr.ind lr, $3  }
0x3a: {  	_ = 	snop  }
0x3b: {  	_ = 	snop  }
0x3c: {  	p2 =	seq.s32 s10, $0x1;
	s10 =	sld [smem:$0x3FB8]  }
0x3d: {  	_ =	shalt  }
0x3e: {  	_ =	shalt  }
0x3f: {  	_ =	shalt  }
0x40: {  	_ =	shalt  }
0x41: {  	_ =	shalt  }
0x42: {  	_ =	shalt  }
0x43: {  	_ =	shalt  }
0x44: {  	_ =	shalt  }
0x45: {  	_ =	shalt  }
0x46: {  	_ =	shalt  }
0x47: {  	_ =	shalt  }
0x48: {  	_ =	shalt  }
0x49: {  	_ =	shalt  }
0x4a: {  	_ =	shalt  }
0x4b: {  	_ =	shalt  }
0x4c: {  	_ =	shalt  }
0x4d: {  	_ =	shalt  }
0x4e: {  	_ =	shalt  }
0x4f: {  	_ =	shalt  }
0x50: {  	_ =	shalt  }
0x51: {  	_ =	shalt  }
0x52: {  	_ =	shalt  }
0x53: {  	_ =	shalt  }
0x54: {  	_ =	shalt  }
0x55: {  	_ =	shalt  }
0x56: {  	_ =	shalt  }
0x57: {  	_ =	shalt  }
0x58: {  	_ =	shalt  }
0x59: {  	_ =	shalt  }
0x5a: {  	_ =	shalt  }
0x5b: {  	_ =	shalt  }
0x5c: {  	_ =	shalt  }
0x5d: {  	_ =	shalt  }
0x5e: {  	_ =	shalt  }
0x5f: {  	_ =	shalt  }
0x60: {  	_ =	shalt  }
0x61: {  	_ =	shalt  }
0x62: {  	_ =	shalt  }
0x63: {  	_ =	shalt  }
0x64: {  	_ =	shalt  }
0x65: {  	_ =	shalt  }
0x66: {  	_ =	shalt  }
0x67: {  	_ =	shalt  }
0x68: {  	_ =	shalt  }
0x69: {  	_ =	shalt  }
0x6a: {  	_ =	shalt  }
0x6b: {  	_ =	shalt  }
0x6c: {  	_ =	shalt  }
0x6d: {  	_ =	shalt  }
0x6e: {  	_ =	shalt  }
0x6f: {  	_ =	shalt  }
0x70: {  	_ =	shalt  }
0x71: {  	_ =	shalt  }
0x72: {  	_ =	shalt  }
0x73: {  	_ =	shalt  }
0x74: {  	_ =	shalt  }
0x75: {  	_ =	shalt  }
0x76: {  	_ =	shalt  }
0x77: {  	_ =	shalt  }
0x78: {  	_ =	shalt  }
0x79: {  	_ =	shalt  }
0x7a: {  	_ =	shalt  }
0x7b: {  	_ =	shalt  }
0x7c: {  	_ =	shalt  }
0x7d: {  	_ =	shalt  }
0x7e: {  	_ =	shalt  }
0x7f: {  	_ =	shalt  }
0x80: {  	_ =	shalt  }
0x81: {  	_ =	shalt  }
0x82: {  	_ =	shalt  }
0x83: {  	_ =	shalt  }
0x84: {  	_ =	shalt  }
0x85: {  	_ =	shalt  }
0x86: {  	_ =	shalt  }
0x87: {  	_ =	shalt  }
.Lfunc_end0:
.L_simem_size_0:
called_computation.1_lowered:
.L_overlay_start_0:
0x88: {  	s2 =	sld [smem:$0x3FD9]  }
0x89: {  	s3 =	sld [smem:$0x3FFE];
	_ =	sdelay $0x1  }
0x8a: {  	s1 =	srdreg.scid  }
0x8b: {  	s0 =	sand.u32 $0x1, s1  }
0x8c: {  	s16 =	sshll.u32 s0, $0xA;
	s2 =	sadd.s32 s3, s2  }
0x8d: {  	s2 =	sadd.s32 s2, s16  }
0x8e: {  	[smem:$0x3FC4] =	sst s2  }
0x8f: {  	_ = 	snop  }
0x90: {  	(tm) =	ssettm $0x1  }
0x91: {  	s17 =	sld [smem:$0x3FFB];
	_ =	sdelay $0x3  }
0x92: {  	_ =	strace s17  }
0x93: {  	s2 =	sld [smem:$0x3FFC];
	_ =	sdelay $0x3  }
0x94: {  	_ =	strace s2  }
0x95: {  	s2 =	sld [smem:$0x3FFD];
	_ =	sdelay $0x3  }
0x96: {  	_ =	strace s2  }
0x97: {  	_ =	strace $0x8FFFFFFF  }
0x98: {  	s18 =	sld [smem:$0x3FDB];
	_ =	sdelay $0x1  }
0x99: {  	s19 =	simm.s32 $_scs_section_size  }
0x9a: {  	s4 =	simm.s32 $_size__tile_overlayer_lowered;
	s5 =	simm.s32 $_tile_overlayer_lowered  }
0x9b: {  	s22 =	simm.s32 $0x1BFF;
	s21 =	sshll.u32 s5, $0x1;
	s2 =	sadd.s32 s19, s18  }
0x9c: {  	s6 =	simm.s32 $0x0;
	s20 =	sshll.u32 s4, $0x1;
	s4 =	sadd.s32 s21, s2  }
0x9d: {  	[timem:s6], [sflag:s22] =	dma.local [hbm:s4], s20  }
0x9e: {  	_ =	swait.ge [sflag:s22], s20  }
0x9f: {  	s3 =	ssub.s32 $0x0, s20;
	[sflag:s22] =	ssyncset.done $0x0  }
0xa0: {  	[sflag:s22] =	ssyncadd.s32 s3;
	_ =	sdelay $0x1  }
0xa1: {  	s23 =	simm.s32 $0x1B8B  }
0xa2: {  	_ =	swait.ge [sflag:s23], $0x1  }
0xa3: {  	[sflag:s23] =	ssyncset.done $0x0  }
0xa4: {  	s25 =	simm.s32 $0x1B8E;
	s24 =	sld [smem:$0x3FFE];
	[sflag:s23] =	ssyncadd.s32 $0xFFFFFFFF  }
0xa5: {  	s26 =	simm.s32 $execute0_lowered;
	[smem:$0x3FD2] =	sst s25  }
0xa6: {  	s4 =	sshll.u32 s26, $0x1;
	_ =	strace $0x80000046;
	[dreg:$0x1] =	wrdreg $0xFFFFFFFF  }
0xa7: {  	s28 =	simm.s32 $_size_execute0_lowered;
	s2 =	sadd.s32 s2, s4;
	[dreg:$0x0] =	wrdreg $0x0  }
0xa8: {  	s4 =	sshll.u32 s28, $0x1;
	[dreg:$0x2] =	wrdreg s2  }
0xa9: {  	[dreg:$0x3] =	wrdreg s4  }
0xaa: {  	[dreg:$0x4] =	wrdreg $0xC0  }
0xab: {  	_ =	task [dreg:s6], $0x5FFFF  }
0xac: {  	[dreg:$0x1] =	wrdreg $0xFFFFFFFF  }
0xad: {  	[dreg:$0x0] =	wrdreg $0x60  }
0xae: {  	[dreg:$0x2] =	wrdreg s24  }
0xaf: {  	[dreg:$0x3] =	wrdreg $0xA  }
0xb0: {  	_ =	task.clear_ibuf [dreg:s6], $0x4FFFF;
	_ =	strace $0x90000046  }
0xb1: {  	s29 =	simm.s32 $0xA;
	_ =	strace $0x80000048  }
0xb2: {  	_ =	swait.ge [sflag:s29], $0x1  }
0xb3: {  	[sflag:s29] =	ssyncadd.s32 $0xFFFFFFFF  }
0xb4: {  	_ =	strace $0x90000048  }
0xb5: {  	_ =	sfence  }
0xb6: {  	s30 =	sld [smem:$0x0];
	_ =	sdelay $0x2  }
0xb7: {  	s31 =	sshll.u32 s1, $0xD;
	s1 =	sshrl.u32 s1, $0x2  }
0xb8: {  	s3 =	sand.u32 $0x4000, s31;
	s1 =	sadd.s32 s1, s30  }
0xb9: {  	s0 =	sor.u32 s3, s0;
	s1 =	sshll.u32 s1, $0x11  }
0xba: {  	s0 =	sor.u32 s1, s0  }
0xbb: {  	s0 =	sadd.s32 $0x8F2B, s0  }
0xbc: {  	[sflag:s0] =	ssyncadd.remote.s32 $0x1  }
0xbd: {  	_ =	sfence.sel $0xFFFF  }
0xbe: {  	[dreg:$0x0] =	wrdreg $0xFFFFFFFF;
	(pc) =	sbr.abs _section_cstart, $3  }
0xbf: {  	[dreg:$0x1] =	wrdreg $0xFFFFFFFF  }
0xc0: {  	_ =	task.clear_ibuf [dreg:s6], $0x2FFFF;
	_ =	strace $0x9FFFFFFF  }
0xc1: {  	(tm) =	ssettm $0x7FFFFFFF  }
tec
execute0_lowered:
.L_overlay_start_1:
0x0: {  	(tag) =	ssettag $0x1  }
0x1: {  	s1 =	srdreg.scid;
	s0 =	stileid.u32  }
0x2: {  	s4 =	rddreg [dreg:$0x0];
	s2 =	simm.s32 $0x0;
	s8 =	simm.s32 $0x50  }
0x3: {  	s9 =	simm.s32 $0xA00;
	s10 =	simm.s32 $0x1E00;
	s11 =	simm.s32 $0x1  }
0x4: {  	s12 =	simm.s32 $0x2;
	s13 =	simm.s32 $0x3200;
	s14 =	simm.s32 $0x0  }
0x5: {  	s3 =	sand.u32 $0x1, s1;
	s5 =	sshll.u32 s0, $0x1;
	[smem:$0x7FF] =	sst s2  }
0x6: {  	s1 =	rddreg [dreg:$0x1];
	s5 =	sor.u32 s3, s5;
	_ =	strace $0x80000047  }
0x7: {  	s7 =	ssub.s32 $0x2, s3;
	s6 =	smul.u32 $0x140, s5;
	s5 =	sshll.u32 s5, $0xA  }
0x8: {  	s3 =	sadd.s32 $0x800, s4;
	s31 =	sshrl.u32 s7, $0x1;
	s5 =	sadd.s32 s5, s4  }
0x9: {  	s7 =	ssub.s32 s7, s31;
	s6 =	sadd.s32 s6, s4;
	s5 =	sadd.s32 $0x7A5000, s5  }
0xa: {  	s4 =	sadd.s32 $0x7A2800, s6;
	s6 =	smax.u32 s7, $0x1;
	s7 =	simm.s32 $0x3  }
.LBB2_1:
0xb: {  	s15 =	smul.u32 $0xCD, s2  }
0xc: {  	[tilespmem:s2], [sflag:$0x3] =	stream.linear.gather [hbm4b:s4+s2], $0xA00, $0x38;
	[tilespmem:$0x5200] =	vst v63  }
0xd: {  	s15 =	sshrl.u32 s15, $0xA  }
0xe: {  	s15 =	sand.u32 $0x3F, s15  }
0xf: {  	s16 =	smul.u32 $0x5, s15  }
0x10: {  	_ =	swait.ge [sflag:s7], $0xA00  }
0x11: {  	[sflag:s7] =	ssyncset.done $0x0;
	s15 =	smul.u32 $0x140, s15;
	s16 =	ssub.s32 $0x0, s16  }
0x12: {  	[sflag:s7] =	ssyncadd.s32 $0xFFFFF600;
	s17 =	sand.u32 $0xFF, s16  }
0x13: {  	s15 =	sshrl.u32 s15, $0x2;
	s16 =	simm.s32 $0x1;
	s19 =	sshll.u32 s17, $0x4  }
0x14: {  	s18 =	smul.u32 $0xCD, s16;
	s17 =	simm.s32 $0x2;
	s15 =	sadd.s32 s19, s15  }
.LBB2_2:
0x15: {  	p0 =	sne.s32 s17, $0x9F;
	v0 =	vld [tilespmem:s15+$0x0]  }
0x16: {  	s18 =	sshrl.u32 s18, $0xA  }
0x17: {  	s18 =	sand.u32 $0x3F, s18  }
0x18: {  	s19 =	smul.u32 $0x5, s18  }
.Ltmp0:
0x19: {  	(pc) =	sbr.rel @p0 .LBB2_2-.Ltmp0, $4  }
0x1a: {  	s18 =	smul.u32 $0x140, s18;
	s19 =	ssub.s32 s16, s19;
	v1 =	vand.u32 $0x1FF, v0;
	v2 =	vand.u32 $0xFFFFFDFF, v0;
	v0 =	vshrl.u32 v0, $0x9;
	s16 =	smov.u32 s17  }
0x1b: {  	s19 =	sand.u32 $0xFF, s19;
	v1 =	vadd.s32 v1, v2;
	v0 =	vand.u32 $0x1, v0  }
0x1c: {  	s20 =	sshrl.u32 s18, $0x2;
	s19 =	sshll.u32 s19, $0x4;
	v0 =	vadd.s32 v0, v1  }
0x1d: {  	s17 =	sadd.s32 $0x1, s17;
	s18 =	smul.u32 $0xCD, s16;
	[tilespmem:s15+$0x0] =	vst v0;
	s15 =	sadd.s32 s19, s20  }
0x1e: {  	v0 =	vld [tilespmem:s15+$0x0]  }
0x1f: {  	s17 =	sshrl.u32 s18, $0xA  }
0x20: {  	s17 =	sand.u32 $0x3F, s17  }
0x21: {  	s31 =	smul.u32 $0x5, s17;
	_ =	sdelay $0x1  }
0x22: {  	s17 =	smul.u32 $0x140, s17;
	s16 =	ssub.s32 s16, s31;
	v1 =	vand.u32 $0x1FF, v0;
	v2 =	vand.u32 $0xFFFFFDFF, v0;
	v0 =	vshrl.u32 v0, $0x9  }
0x23: {  	s16 =	sand.u32 $0xFF, s16;
	v1 =	vadd.s32 v1, v2;
	v0 =	vand.u32 $0x1, v0  }
0x24: {  	s17 =	sshrl.u32 s17, $0x2;
	s16 =	sshll.u32 s16, $0x4;
	v0 =	vadd.s32 v0, v1  }
0x25: {  	s16 =	sadd.s32 s16, s17;
	[tilespmem:s15+$0x0] =	vst v0  }
0x26: {  	v0 =	vld [tilespmem:s16+$0x0];
	_ =	sdelay $0x4  }
0x27: {  	v62 =	vand.u32 $0x1FF, v0;
	v63 =	vand.u32 $0xFFFFFDFF, v0;
	v0 =	vshrl.u32 v0, $0x9  }
0x28: {  	v1 =	vadd.s32 v62, v63;
	v0 =	vand.u32 $0x1, v0  }
0x29: {  	v0 =	vadd.s32 v0, v1  }
0x2a: {  	s15 =	simm.s32 $0x0;
	[tilespmem:s16+$0x0] =	vst v0  }
0x2b: {  	[tilespmem:s9], [sflag:$0x1] =	stream.indirect.gather [hbm4b:s3+s8], $0x40, s15, s8, $0xb8;
	[tilespmem:$0x5200] =	vst v63  }
.LBB2_4:
0x2c: {  	s16 =	sshllo.u32 s15, $0x1  }
0x2d: {  	s17 =	smul.u32 $0x140, s16;
	_ =	sdelay $0x1  }
0x2e: {  	s31 =	sshll.u32 s15, $0x9;
	s17 =	sshra.s32 s17, $0x2  }
0x2f: {  	[tilespmem:s10], [sflag:$0x2] =	stream.indirect.gather [hbm4b:s3+s8], $0x40, s17, s8, $0xb8;
	[tilespmem:$0x5200] =	vst v63  }
0x30: {  	s17 =	sand.u32 $0x3FFFFE00, s31;
	_ =	swait.ge [sflag:s11], $0x1400  }
0x31: {  	s18 =	sadd.s32 $0x3200, s17;
	[sflag:s11] =	ssyncset.done $0x0  }
0x32: {  	s17 =	simm.s32 $0xA80;
	v0 =	vmov s18;
	s18 =	simm.s32 $0x0;
	[sflag:s11] =	ssyncadd.s32 $0xFFFFEC00  }
.LBB2_5:
0x33: {  	v1 =	vld [tilespmem:s17+$0x40]  }
0x34: {  	v2 =	vld [tilespmem:s17+$0x50]  }
0x35: {  	v3 =	vld [tilespmem:s17+$0x0]  }
0x36: {  	v4 =	vld [tilespmem:s17+$0x10]  }
0x37: {  	v10 =	vld [tilespmem:s17+$0xFFFFFFC0]  }
0x38: {  	v13 =	vld [tilespmem:s17+$0xFFFFFFD0]  }
0x39: {  	v6 =	vld [tilespmem:s17+$0xFFFFFF80]  }
0x3a: {  	v8 =	vld [tilespmem:s17+$0xFFFFFF90]  }
0x3b: {  	v11 =	vld [tilespmem:s17+$0xFFFFFFA0]  }
0x3c: {  	v14 =	vld [tilespmem:s17+$0xFFFFFFB0]  }
0x3d: {  	v7 =	vld [tilespmem:s17+$0xFFFFFFE0]  }
0x3e: {  	v9 =	vld [tilespmem:s17+$0xFFFFFFF0]  }
0x3f: {  	v15 =	vimm.f32 $0.0e+00;
	v5 =	vld [tilespmem:s17+$0x20]  }
0x40: {  	v16 =	vadd.f32 v6, v15;
	v17 =	vadd.f32 v8, v15;
	v8 =	vld [tilespmem:s17+$0x30]  }
0x41: {  	v12 =	vadd.f32 v11, v15;
	v11 =	vadd.f32 v14, v15;
	v6 =	vld [tilespmem:s17+$0x60]  }
0x42: {  	s19 =	simm.s32 $0x0;
	s20 =	sadd.s32 $0x100, s17;
	v14 =	vadd.f32 v10, v16;
	v13 =	vadd.f32 v13, v17;
	v10 =	vld [tilespmem:s17+$0x70]  }
.LBB2_6:
0x43: {  	v15 =	vld [tilespmem:s20+$0x40];
	v7 =	vadd.f32 v7, v12;
	v9 =	vadd.f32 v9, v11  }
0x44: {  	v11 =	vld [tilespmem:s20+$0x50];
	v12 =	vadd.f32 v3, v14;
	v13 =	vadd.f32 v4, v13  }
0x45: {  	v3 =	vld [tilespmem:s20+$0x0];
	v5 =	vadd.f32 v5, v7;
	v7 =	vadd.f32 v8, v9  }
0x46: {  	v4 =	vld [tilespmem:s20+$0x10];
	v8 =	vadd.f32 v1, v12;
	v12 =	vadd.f32 v2, v13  }
0x47: {  	v13 =	vld [tilespmem:s20+$0xFFFFFFC0];
	v6 =	vadd.f32 v6, v5;
	v10 =	vadd.f32 v10, v7  }
0x48: {  	v16 =	vld [tilespmem:s20+$0xFFFFFFD0];
	v1 =	vmov v15  }
0x49: {  	v14 =	vld [tilespmem:s20+$0xFFFFFF80];
	v2 =	vmov v11  }
0x4a: {  	v11 =	vld [tilespmem:s20+$0xFFFFFF90]  }
0x4b: {  	v15 =	vld [tilespmem:s20+$0xFFFFFFA0]  }
0x4c: {  	s19 =	sadd.s32 $0x4, s19;
	v17 =	vld [tilespmem:s20+$0xFFFFFFB0]  }
0x4d: {  	p0 =	slt.u32 s19, $0x10;
	v7 =	vld [tilespmem:s20+$0xFFFFFFE0]  }
.Ltmp1:
0x4e: {  	v9 =	vld [tilespmem:s20+$0xFFFFFFF0];
	(pc) =	sbr.rel @p0 .LBB2_6-.Ltmp1, $4  }
0x4f: {  	v5 =	vld [tilespmem:s20+$0x20]  }
0x50: {  	v14 =	vadd.f32 v14, v8;
	v18 =	vadd.f32 v11, v12;
	v8 =	vld [tilespmem:s20+$0x30]  }
0x51: {  	v12 =	vadd.f32 v15, v6;
	v11 =	vadd.f32 v17, v10;
	v6 =	vld [tilespmem:s20+$0x60]  }
0x52: {  	v14 =	vadd.f32 v13, v14;
	v13 =	vadd.f32 v16, v18;
	v10 =	vld [tilespmem:s20+$0x70];
	s20 =	sadd.s32 $0x100, s20  }
0x53: {  	_ = 	snop  }
0x54: {  	v7 =	vadd.f32 v7, v12;
	v3 =	vadd.f32 v3, v14  }
0x55: {  	v9 =	vadd.f32 v9, v11;
	v4 =	vadd.f32 v4, v13  }
0x56: {  	v5 =	vadd.f32 v5, v7;
	v1 =	vadd.f32 v1, v3  }
0x57: {  	s19 =	sshll.u32 s18, $0x6;
	s18 =	sadd.s32 $0x1, s18;
	v3 =	vadd.f32 v8, v9;
	v2 =	vadd.f32 v2, v4  }
0x58: {  	p0 =	sne.s32 s18, $0x4;
	v63 =	vadd.f32 v6, v5;
	v1 =	vmul.f32 $5.000000070e-02, v1  }
.Ltmp2:
0x59: {  	s19 =	sand.u32 $0x3FFFFFC0, s19;
	v3 =	vadd.f32 v10, v3;
	v2 =	vmul.f32 $5.000000070e-02, v2;
	(pc) =	sbr.rel @p0 .LBB2_5-.Ltmp2, $4  }
0x5a: {  	[tilespmem:v0+s19+$0x0 ss:$0x1] =	vst.idx.msk $0xffff, v1;
	v1 =	vmul.f32 $5.000000070e-02, v63  }
0x5b: {  	[tilespmem:v0+s19+$0x10 ss:$0x1] =	vst.idx.msk $0xffff, v2;
	v2 =	vmul.f32 $5.000000070e-02, v3  }
0x5c: {  	[tilespmem:v0+s19+$0x20 ss:$0x1] =	vst.idx.msk $0xffff, v1  }
0x5d: {  	s17 =	sadd.s32 $0x500, s17;
	[tilespmem:v0+s19+$0x30 ss:$0x1] =	vst.idx.msk $0xffff, v2  }
0x5e: {  	p0 =	seq.s32 s15, $0xF  }
0x5f: {  	s17 =	smul.u32 @!p0 $0x280, s15;
	_ =	sdelay $0x1  }
0x60: {  	s16 =	sshll.u32 s16, $0x8;
	s17 =	sshra.s32 @!p0 s17, $0x2  }
0x61: {  	s18 =	simm.s32 @!p0 $0x50;
	s19 =	simm.s32 @!p0 $0xA00;
	s17 =	sadd.s32 @!p0 $0xA0, s17  }
0x62: {  	[tilespmem:s19], [sflag:$0x1] =	stream.indirect.gather @!p0 [hbm4b:s3+s18], $0x40, s17, s18, $0xb8;
	[tilespmem:$0x5200] =	vst v63  }
0x63: {  	s16 =	sand.u32 $0x3FFFFF00, s16;
	_ =	swait.ge [sflag:s12], $0x1400  }
0x64: {  	s31 =	sadd.s32 $0x3200, s16;
	[sflag:s12] =	ssyncset.done $0x0  }
0x65: {  	s16 =	simm.s32 $0x0;
	v0 =	vmov s31;
	s17 =	simm.s32 $0x1E80;
	[sflag:s12] =	ssyncadd.s32 $0xFFFFEC00  }
.LBB2_9:
0x66: {  	v1 =	vld [tilespmem:s17+$0x40]  }
0x67: {  	v2 =	vld [tilespmem:s17+$0x50]  }
0x68: {  	v3 =	vld [tilespmem:s17+$0x0]  }
0x69: {  	v4 =	vld [tilespmem:s17+$0x10]  }
0x6a: {  	v10 =	vld [tilespmem:s17+$0xFFFFFFC0]  }
0x6b: {  	v13 =	vld [tilespmem:s17+$0xFFFFFFD0]  }
0x6c: {  	v6 =	vld [tilespmem:s17+$0xFFFFFF80]  }
0x6d: {  	v8 =	vld [tilespmem:s17+$0xFFFFFF90]  }
0x6e: {  	v11 =	vld [tilespmem:s17+$0xFFFFFFA0]  }
0x6f: {  	v14 =	vld [tilespmem:s17+$0xFFFFFFB0]  }
0x70: {  	v7 =	vld [tilespmem:s17+$0xFFFFFFE0]  }
0x71: {  	v9 =	vld [tilespmem:s17+$0xFFFFFFF0]  }
0x72: {  	v15 =	vimm.f32 $0.0e+00;
	v5 =	vld [tilespmem:s17+$0x20]  }
0x73: {  	v16 =	vadd.f32 v6, v15;
	v17 =	vadd.f32 v8, v15;
	v8 =	vld [tilespmem:s17+$0x30]  }
0x74: {  	v12 =	vadd.f32 v11, v15;
	v11 =	vadd.f32 v14, v15;
	v6 =	vld [tilespmem:s17+$0x60]  }
0x75: {  	s18 =	simm.s32 $0x0;
	s19 =	sadd.s32 $0x100, s17;
	v14 =	vadd.f32 v10, v16;
	v13 =	vadd.f32 v13, v17;
	v10 =	vld [tilespmem:s17+$0x70]  }
.LBB2_10:
0x76: {  	v15 =	vld [tilespmem:s19+$0x40];
	v7 =	vadd.f32 v7, v12;
	v9 =	vadd.f32 v9, v11  }
0x77: {  	v11 =	vld [tilespmem:s19+$0x50];
	v12 =	vadd.f32 v3, v14;
	v13 =	vadd.f32 v4, v13  }
0x78: {  	v3 =	vld [tilespmem:s19+$0x0];
	v5 =	vadd.f32 v5, v7;
	v7 =	vadd.f32 v8, v9  }
0x79: {  	v4 =	vld [tilespmem:s19+$0x10];
	v8 =	vadd.f32 v1, v12;
	v12 =	vadd.f32 v2, v13  }
0x7a: {  	v13 =	vld [tilespmem:s19+$0xFFFFFFC0];
	v6 =	vadd.f32 v6, v5;
	v10 =	vadd.f32 v10, v7  }
0x7b: {  	v16 =	vld [tilespmem:s19+$0xFFFFFFD0];
	v1 =	vmov v15  }
0x7c: {  	v14 =	vld [tilespmem:s19+$0xFFFFFF80];
	v2 =	vmov v11  }
0x7d: {  	v11 =	vld [tilespmem:s19+$0xFFFFFF90]  }
0x7e: {  	v15 =	vld [tilespmem:s19+$0xFFFFFFA0]  }
0x7f: {  	s18 =	sadd.s32 $0x4, s18;
	v17 =	vld [tilespmem:s19+$0xFFFFFFB0]  }
0x80: {  	p0 =	slt.u32 s18, $0x10;
	v7 =	vld [tilespmem:s19+$0xFFFFFFE0]  }
.Ltmp3:
0x81: {  	v9 =	vld [tilespmem:s19+$0xFFFFFFF0];
	(pc) =	sbr.rel @p0 .LBB2_10-.Ltmp3, $4  }
0x82: {  	v5 =	vld [tilespmem:s19+$0x20]  }
0x83: {  	v14 =	vadd.f32 v14, v8;
	v18 =	vadd.f32 v11, v12;
	v8 =	vld [tilespmem:s19+$0x30]  }
0x84: {  	v12 =	vadd.f32 v15, v6;
	v11 =	vadd.f32 v17, v10;
	v6 =	vld [tilespmem:s19+$0x60]  }
0x85: {  	v14 =	vadd.f32 v13, v14;
	v13 =	vadd.f32 v16, v18;
	v10 =	vld [tilespmem:s19+$0x70];
	s19 =	sadd.s32 $0x100, s19  }
0x86: {  	_ = 	snop  }
0x87: {  	v7 =	vadd.f32 v7, v12;
	v3 =	vadd.f32 v3, v14  }
0x88: {  	v9 =	vadd.f32 v9, v11;
	v4 =	vadd.f32 v4, v13  }
0x89: {  	v5 =	vadd.f32 v5, v7;
	v1 =	vadd.f32 v1, v3  }
0x8a: {  	s18 =	sshll.u32 s16, $0x6;
	s16 =	sadd.s32 $0x1, s16;
	v3 =	vadd.f32 v8, v9;
	v2 =	vadd.f32 v2, v4  }
0x8b: {  	p0 =	sne.s32 s16, $0x4;
	v63 =	vadd.f32 v6, v5;
	v1 =	vmul.f32 $5.000000070e-02, v1  }
.Ltmp4:
0x8c: {  	s18 =	sand.u32 $0x3FFFFFC0, s18;
	v3 =	vadd.f32 v10, v3;
	v2 =	vmul.f32 $5.000000070e-02, v2;
	(pc) =	sbr.rel @p0 .LBB2_9-.Ltmp4, $4  }
0x8d: {  	[tilespmem:v0+s18+$0x0 ss:$0x1] =	vst.idx.msk $0xffff, v1;
	v1 =	vmul.f32 $5.000000070e-02, v63  }
0x8e: {  	[tilespmem:v0+s18+$0x10 ss:$0x1] =	vst.idx.msk $0xffff, v2;
	v2 =	vmul.f32 $5.000000070e-02, v3  }
0x8f: {  	[tilespmem:v0+s18+$0x20 ss:$0x1] =	vst.idx.msk $0xffff, v1  }
0x90: {  	s17 =	sadd.s32 $0x500, s17;
	[tilespmem:v0+s18+$0x30 ss:$0x1] =	vst.idx.msk $0xffff, v2  }
0x91: {  	s15 =	sadd.s32 $0x1, s15  }
0x92: {  	p0 =	sne.s32 s15, $0x10  }
.Ltmp5:
0x93: {  	_ = 	snop;
	(pc) =	sbr.rel @p0 .LBB2_4-.Ltmp5, $1  }
0x94: {  	_ =	sdelay $0x3  }
0x95: {  	s14 =	sadd.s32 $0x1, s14  }
0x96: {  	p0 =	sne.s32 s14, s6  }
.Ltmp6:
0x97: {  	_ = 	snop;
	(pc) =	sbr.rel @p0 .LBB2_1-.Ltmp6, $4  }
0x98: {  	[hbm4b:s5+s2] =	stream.linear.scatter [tilespmem:s13], [sflag:$0x3], $0x2000, $0x38;
	[tilespmem:$0x5200] =	vst v63  }
0x99: {  	_ =	swait.ge [sflag:s7], $0x2000  }
0x9a: {  	[sflag:s7] =	ssyncset.done $0x0  }
0x9b: {  	[sflag:s7] =	ssyncadd.s32 $0xFFFFE000  }
0x9c: {  	_ =	sfence.sel $0x180000  }
0x9d: {  	[bflag:$0x0] =	sbarrier.arrive $0xFFFF  }
0x9e: {  	p0 =	sne.s32 s0, $0x0;
	_ =	strace $0x90000047  }
0x9f: {  	s0 =	sadd.s32 @!p0 $0x100000, s1;
	[bflag:$0x2] =	sbarrier.arrive $0xFFFF  }
0xa0: {  	[sflag:s0] =	ssyncadd.tile.s32 @!p0 $0x1;
	_ =	shalt  }
.Lfunc_end2:
_tile_overlayer_lowered:
.L_overlay_start_2:
0xa1: {  	(tag) =	ssettag $0x2  }
0xa2: {  	s0 =	rddreg [dreg:$0x0];
	s2 =	stileid.u32  }
0xa3: {  	s1 =	rddreg [dreg:$0x1];
	p0 =	sne.s32 s2, $0x0  }
0xa4: {  	s3 =	rddreg [dreg:$0x2];
	[bflag:$0x3] =	sbarrier.arrive $0xFFFF;
	s2 =	simm.s32 @!p0 $0x1C03  }
0xa5: {  	[timem:s3], [sflag:s2] =	dma.local @!p0 [hbm:s0], s1  }
0xa6: {  	s0 =	simm.s32 @!p0 $0x3  }
0xa7: {  	_ =	swait.ge @!p0 [sflag:s0], s1  }
0xa8: {  	s1 =	ssub.s32 @!p0 $0x0, s1;
	[sflag:s0] =	ssyncset.done @!p0 $0x0  }
0xa9: {  	[sflag:s0] =	ssyncadd.s32 @!p0 s1  }
0xaa: {  	[bflag:$0x3] =	sbarrier.arrive $0xFFFF  }
0xab: {  	_ =	shalt  }

</sc_bundles>
